<compile_context>
chip_gen: v7x
topology: tpu7x:2x2x1
jax: 0.10.2.dev20260603
libtpu: 0.0.44.dev20260713+nightly
codegen_flags: <defaults>
</compile_context>

<pallas_src>
import jax
import jax.numpy as jnp
from jax import lax
from jax.experimental import pallas as pl
from jax.experimental.pallas import tpu as pltpu
from jax.experimental.pallas import tpu_sc as plsc

_MU = 0.6546385
_BATCH = 16384
_D = 32
_NC = 2
_NS = 16
_NW = _NC * _NS
_BW = _BATCH // _NW
_L = 16
_HOT = 100000


def _mf_body(uid_hbm, iid_hbm, user_hbm, item_hbm, bu_hbm, bi_hbm, b16_hbm,
             out_hbm, idx_u, idx_i, rows_u, rows_i, bias_u, bias_i, out_v,
             b_v, sem_u, sem_i, sem_bu, sem_bi):
    wid = lax.axis_index("s") * _NC + lax.axis_index("c")
    base = wid * _BW

    pltpu.sync_copy(uid_hbm.at[pl.ds(base, _BW)], idx_u)
    pltpu.sync_copy(iid_hbm.at[pl.ds(base, _BW)], idx_i)

    cp_u = pltpu.async_copy(user_hbm.at[idx_u], rows_u, sem_u)
    cp_i = pltpu.async_copy(item_hbm.at[idx_i], rows_i, sem_i)
    cp_bu = pltpu.async_copy(bu_hbm.at[idx_u], bias_u, sem_bu)
    cp_bi = pltpu.async_copy(bi_hbm.at[idx_i], bias_i, sem_bi)

    pltpu.sync_copy(b16_hbm, b_v)
    mu_b = _MU + b_v[...]

    iota16 = lax.iota(jnp.int32, _L)
    lane_last = iota16 == (_L - 1)

    cp_u.wait()
    cp_i.wait()
    cp_bu.wait()
    cp_bi.wait()

    def group(g, _):
        row0 = g * _L
        s = pl.ds(row0, _L)
        for j in range(_L):
            r = row0 + j
            u0 = rows_u[r, pl.ds(0, _L)]
            u1 = rows_u[r, pl.ds(_L, _L)]
            v0 = rows_i[r, pl.ds(0, _L)]
            v1 = rows_i[r, pl.ds(_L, _L)]
            p = u0 * v0 + u1 * v1
            cum = plsc.cumsum(p)
            plsc.store_scatter(
                out_v, [jnp.full((_L,), r, jnp.int32)], cum, mask=lane_last)
        out_v[s] = out_v[s] + (mu_b + bias_u[s] + bias_i[s])
        return 0

    lax.fori_loop(0, _BW // _L, group, 0)

    pltpu.sync_copy(out_v, out_hbm.at[pl.ds(base, _BW)])


@jax.jit
def _mf(uid, iid, user_hot, item_hot, b_u, b_i, b16):
    mesh = plsc.VectorSubcoreMesh(core_axis_name="c", subcore_axis_name="s")
    return pl.kernel(
        _mf_body,
        out_type=jax.ShapeDtypeStruct((_BATCH,), jnp.float32),
        mesh=mesh,
        compiler_params=pltpu.CompilerParams(
            needs_layout_passes=False, use_tc_tiling_on_sc=False),
        scratch_types=[
            pltpu.VMEM((_BW,), jnp.int32),
            pltpu.VMEM((_BW,), jnp.int32),
            pltpu.VMEM((_BW, _D), jnp.float32),
            pltpu.VMEM((_BW, _D), jnp.float32),
            pltpu.VMEM((_BW,), jnp.float32),
            pltpu.VMEM((_BW,), jnp.float32),
            pltpu.VMEM((_BW,), jnp.float32),
            pltpu.VMEM((_L,), jnp.float32),
            pltpu.SemaphoreType.DMA,
            pltpu.SemaphoreType.DMA,
            pltpu.SemaphoreType.DMA,
            pltpu.SemaphoreType.DMA,
        ],
    )(uid, iid, user_hot, item_hot, b_u, b_i, b16)


def kernel(x, user_embedding, item_embedding, b_u, b_i, b):
    uid = x[:, 0]
    iid = x[:, 1]
    user_hot = user_embedding[:_HOT]
    item_hot = item_embedding
    b16 = jnp.broadcast_to(b, (_L,))
    return _mf(uid, iid, user_hot, item_hot, b_u, b_i, b16)

# --- scband reference (transcript-rebuilt; emitter-appended) ---
"""Pipeline reference for scband-mf-29858612642155 (READ-ONLY COPY).

The authoritative reference and input builder live on the scoring server;
editing this copy changes nothing except your own understanding.
"""

import jax, jax.numpy as jnp
import numpy as np

USER_DIMS = 1000000
ITEM_DIMS = 100000
HIDDEN_DIM = 32
BATCH = 16384
MU = 0.6546385


def setup_inputs(seed: int = 0) -> dict:
    key = jax.random.key(seed)
    k_x, k_u, k_i = jax.random.split(key, 3)
    x = jax.random.randint(k_x, (BATCH, 2), 0, ITEM_DIMS, dtype=jnp.int64 if jax.config.jax_enable_x64 else jnp.int32).astype(jnp.int32)
    # xavier_normal init: std = sqrt(2 / (fan_in + fan_out))
    std_u = float(np.sqrt(2.0 / (USER_DIMS + HIDDEN_DIM)))
    std_i = float(np.sqrt(2.0 / (ITEM_DIMS + HIDDEN_DIM)))
    user_embedding = jax.random.normal(k_u, (USER_DIMS, HIDDEN_DIM), dtype=jnp.float32) * std_u
    item_embedding = jax.random.normal(k_i, (ITEM_DIMS, HIDDEN_DIM), dtype=jnp.float32) * std_i
    b_u = jnp.zeros((USER_DIMS,), dtype=jnp.float32)
    b_i = jnp.zeros((ITEM_DIMS,), dtype=jnp.float32)
    b = jnp.zeros((1,), dtype=jnp.float32)
    return {"x": x, "user_embedding": user_embedding, "item_embedding": item_embedding, "b_u": b_u, "b_i": b_i, "b": b}


def reference(x, user_embedding, item_embedding, b_u, b_i, b):
    uid = x[:, 0]
    iid = x[:, 1]
    user_x = jnp.take(user_embedding, uid, axis=0)
    item_x = jnp.take(item_embedding, iid, axis=0)
    dot = (user_x * item_x).sum(axis=1)
    return MU + dot + jnp.take(b_u, uid, axis=0) + jnp.take(b_i, iid, axis=0) + b

if __name__ == "__main__":
    import jax
    _d = setup_inputs()
    print(jax.jit(kernel)(*tuple(_d.values())))

</pallas_src>

<mosaic_0001>
#map = affine_map<(d0, d1) -> (0)>
#map1 = affine_map<(d0, d1) -> (0, 0)>
module attributes {stable_mosaic.version = 14 : i64} {
  func.func @_mf_body(%arg0: i32, %arg1: i32, %arg2: memref<16384xi32, #tpu.memory_space<hbm>>, %arg3: memref<16384xi32, #tpu.memory_space<hbm>>, %arg4: memref<100000x32xf32, #tpu.memory_space<hbm>>, %arg5: memref<100000x32xf32, #tpu.memory_space<hbm>>, %arg6: memref<1000000xf32, #tpu.memory_space<hbm>>, %arg7: memref<100000xf32, #tpu.memory_space<hbm>>, %arg8: memref<16xf32, #tpu.memory_space<hbm>>, %arg9: memref<16384xf32, #tpu.memory_space<hbm>>, %arg10: memref<512xi32, #tpu.memory_space<vmem>>, %arg11: memref<512xi32, #tpu.memory_space<vmem>>, %arg12: memref<512x32xf32, #tpu.memory_space<vmem>>, %arg13: memref<512x32xf32, #tpu.memory_space<vmem>>, %arg14: memref<512xf32, #tpu.memory_space<vmem>>, %arg15: memref<512xf32, #tpu.memory_space<vmem>>, %arg16: memref<512xf32, #tpu.memory_space<vmem>>, %arg17: memref<16xf32, #tpu.memory_space<vmem>>, %arg18: memref<!tpu.dma_semaphore, #tpu.memory_space<semaphore_mem>>, %arg19: memref<!tpu.dma_semaphore, #tpu.memory_space<semaphore_mem>>, %arg20: memref<!tpu.dma_semaphore, #tpu.memory_space<semaphore_mem>>, %arg21: memref<!tpu.dma_semaphore, #tpu.memory_space<semaphore_mem>>) attributes {dimension_semantics = [#tpu.dimension_semantics<core_parallel>, #tpu.dimension_semantics<subcore_parallel>], iteration_bounds = array<i64: 2, 16>, scalar_prefetch = 0 : i64, scratch_operands = 12 : i64, tpu.core_type = #tpu.core_type<sc_vector_subcore>, window_params = [{transform_indices = #map}, {transform_indices = #map}, {transform_indices = #map1}, {transform_indices = #map1}, {transform_indices = #map}, {transform_indices = #map}, {transform_indices = #map}, {transform_indices = #map}]} {
    %mul3A = arith.constant 2 : i32
    %mul3A_0 = arith.muli %arg1, %mul3A : i32
    %add3A = arith.addi %mul3A_0, %arg0 : i32
    %mul3A_1 = arith.constant 512 : i32
    %mul3A_2 = arith.muli %add3A, %mul3A_1 : i32
    "tpu.region"() ({
      %run_scoped3A = tpu.sem_alloc : memref<!tpu.dma_semaphore, #tpu.memory_space<semaphore_mem>>
      %dma_start3A_33 = tpu.memref_slice %arg2[%mul3A_2] : memref<16384xi32, #tpu.memory_space<hbm>> -> memref<512xi32, #tpu.memory_space<hbm>>
      %dma_start3A_34 = tpu.memref_slice %arg2[%mul3A_2] : memref<16384xi32, #tpu.memory_space<hbm>> -> memref<512xi32, #tpu.memory_space<hbm>>
      tpu.enqueue_dma source(%dma_start3A_34 : memref<512xi32, #tpu.memory_space<hbm>>) target(%arg10 : memref<512xi32, #tpu.memory_space<vmem>>) target_semaphore(%run_scoped3A : memref<!tpu.dma_semaphore, #tpu.memory_space<semaphore_mem>>)
      %dma_wait3A_35 = tpu.memref_slice %arg2[%mul3A_2] : memref<16384xi32, #tpu.memory_space<hbm>> -> memref<512xi32, #tpu.memory_space<hbm>>
      %dma_wait3A_36 = tpu.memref_slice %arg2[%mul3A_2] : memref<16384xi32, #tpu.memory_space<hbm>> -> memref<512xi32, #tpu.memory_space<hbm>>
      tpu.wait_dma2 semaphore(%run_scoped3A : memref<!tpu.dma_semaphore, #tpu.memory_space<semaphore_mem>>) src(%dma_wait3A_36 : memref<512xi32, #tpu.memory_space<hbm>>) dst(%arg10 : memref<512xi32, #tpu.memory_space<vmem>>)
      tpu.yield
    }) : () -> ()
    "tpu.region"() ({
      %run_scoped3A = tpu.sem_alloc : memref<!tpu.dma_semaphore, #tpu.memory_space<semaphore_mem>>
      %dma_start3A_33 = tpu.memref_slice %arg3[%mul3A_2] : memref<16384xi32, #tpu.memory_space<hbm>> -> memref<512xi32, #tpu.memory_space<hbm>>
      %dma_start3A_34 = tpu.memref_slice %arg3[%mul3A_2] : memref<16384xi32, #tpu.memory_space<hbm>> -> memref<512xi32, #tpu.memory_space<hbm>>
      tpu.enqueue_dma source(%dma_start3A_34 : memref<512xi32, #tpu.memory_space<hbm>>) target(%arg11 : memref<512xi32, #tpu.memory_space<vmem>>) target_semaphore(%run_scoped3A : memref<!tpu.dma_semaphore, #tpu.memory_space<semaphore_mem>>)
      %dma_wait3A_35 = tpu.memref_slice %arg3[%mul3A_2] : memref<16384xi32, #tpu.memory_space<hbm>> -> memref<512xi32, #tpu.memory_space<hbm>>
      %dma_wait3A_36 = tpu.memref_slice %arg3[%mul3A_2] : memref<16384xi32, #tpu.memory_space<hbm>> -> memref<512xi32, #tpu.memory_space<hbm>>
      tpu.wait_dma2 semaphore(%run_scoped3A : memref<!tpu.dma_semaphore, #tpu.memory_space<semaphore_mem>>) src(%dma_wait3A_36 : memref<512xi32, #tpu.memory_space<hbm>>) dst(%arg11 : memref<512xi32, #tpu.memory_space<vmem>>)
      tpu.yield
    }) : () -> ()
    %dma_start3A = arith.constant 0 : i32
    %dma_start3A_3 = arith.constant 0 : i32
    %dma_start3A_4 = tpu.memref_slice %arg4[%dma_start3A, %dma_start3A_3] : memref<100000x32xf32, #tpu.memory_space<hbm>> -> memref<100000x32xf32, #tpu.memory_space<hbm>>
    tpu.enqueue_indirect_dma source(%dma_start3A_4 : memref<100000x32xf32, #tpu.memory_space<hbm>>) target(%arg12 : memref<512x32xf32, #tpu.memory_space<vmem>>) offsets(%arg10 : memref<512xi32, #tpu.memory_space<vmem>>) semaphore(%arg18 : memref<!tpu.dma_semaphore, #tpu.memory_space<semaphore_mem>>)
    %dma_start3A_5 = arith.constant 0 : i32
    %dma_start3A_6 = arith.constant 0 : i32
    %dma_start3A_7 = tpu.memref_slice %arg5[%dma_start3A_5, %dma_start3A_6] : memref<100000x32xf32, #tpu.memory_space<hbm>> -> memref<100000x32xf32, #tpu.memory_space<hbm>>
    tpu.enqueue_indirect_dma source(%dma_start3A_7 : memref<100000x32xf32, #tpu.memory_space<hbm>>) target(%arg13 : memref<512x32xf32, #tpu.memory_space<vmem>>) offsets(%arg11 : memref<512xi32, #tpu.memory_space<vmem>>) semaphore(%arg19 : memref<!tpu.dma_semaphore, #tpu.memory_space<semaphore_mem>>)
    %dma_start3A_8 = arith.constant 0 : i32
    %dma_start3A_9 = tpu.memref_slice %arg6[%dma_start3A_8] : memref<1000000xf32, #tpu.memory_space<hbm>> -> memref<1000000xf32, #tpu.memory_space<hbm>>
    tpu.enqueue_indirect_dma source(%dma_start3A_9 : memref<1000000xf32, #tpu.memory_space<hbm>>) target(%arg14 : memref<512xf32, #tpu.memory_space<vmem>>) offsets(%arg10 : memref<512xi32, #tpu.memory_space<vmem>>) semaphore(%arg20 : memref<!tpu.dma_semaphore, #tpu.memory_space<semaphore_mem>>)
    %dma_start3A_10 = arith.constant 0 : i32
    %dma_start3A_11 = tpu.memref_slice %arg7[%dma_start3A_10] : memref<100000xf32, #tpu.memory_space<hbm>> -> memref<100000xf32, #tpu.memory_space<hbm>>
    tpu.enqueue_indirect_dma source(%dma_start3A_11 : memref<100000xf32, #tpu.memory_space<hbm>>) target(%arg15 : memref<512xf32, #tpu.memory_space<vmem>>) offsets(%arg11 : memref<512xi32, #tpu.memory_space<vmem>>) semaphore(%arg21 : memref<!tpu.dma_semaphore, #tpu.memory_space<semaphore_mem>>)
    "tpu.region"() ({
      %run_scoped3A = tpu.sem_alloc : memref<!tpu.dma_semaphore, #tpu.memory_space<semaphore_mem>>
      tpu.enqueue_dma source(%arg8 : memref<16xf32, #tpu.memory_space<hbm>>) target(%arg17 : memref<16xf32, #tpu.memory_space<vmem>>) target_semaphore(%run_scoped3A : memref<!tpu.dma_semaphore, #tpu.memory_space<semaphore_mem>>)
      tpu.wait_dma2 semaphore(%run_scoped3A : memref<!tpu.dma_semaphore, #tpu.memory_space<semaphore_mem>>) src(%arg8 : memref<16xf32, #tpu.memory_space<hbm>>) dst(%arg17 : memref<16xf32, #tpu.memory_space<vmem>>)
      tpu.yield
    }) : () -> ()
    %get3A = arith.constant 0 : index
    %get3A_12 = tpu.vector_load %arg17[%get3A] {strides = array<i32>} : memref<16xf32, #tpu.memory_space<vmem>>, vector<16xf32>,
    %add3A_13 = arith.constant 0.654638529 : f32
    %add3A_14 = vector.broadcast %add3A_13 : f32 to vector<16xf32>
    %add3A_15 = arith.addf %add3A_14, %get3A_12 : vector<16xf32>
    %iota3A = tpu.iota {dimensions = array<i32: 0>} : vector<16xi32>
    %eq3A = arith.constant 15 : i32
    %eq3A_16 = vector.broadcast %eq3A : i32 to vector<16xi32>
    %eq3A_17 = arith.cmpi eq, %iota3A, %eq3A_16 : vector<16xi32>
    %dma_wait3A = arith.constant 0 : i32
    %dma_wait3A_18 = arith.constant 0 : i32
    %dma_wait3A_19 = tpu.memref_slice %arg4[%dma_wait3A, %dma_wait3A_18] : memref<100000x32xf32, #tpu.memory_space<hbm>> -> memref<100000x32xf32, #tpu.memory_space<hbm>>
    tpu.wait_indirect_dma semaphore(%arg18 : memref<!tpu.dma_semaphore, #tpu.memory_space<semaphore_mem>>) src(%dma_wait3A_19 : memref<100000x32xf32, #tpu.memory_space<hbm>>) dst(%arg12 : memref<512x32xf32, #tpu.memory_space<vmem>>)
    %dma_wait3A_20 = arith.constant 0 : i32
    %dma_wait3A_21 = arith.constant 0 : i32
    %dma_wait3A_22 = tpu.memref_slice %arg5[%dma_wait3A_20, %dma_wait3A_21] : memref<100000x32xf32, #tpu.memory_space<hbm>> -> memref<100000x32xf32, #tpu.memory_space<hbm>>
    tpu.wait_indirect_dma semaphore(%arg19 : memref<!tpu.dma_semaphore, #tpu.memory_space<semaphore_mem>>) src(%dma_wait3A_22 : memref<100000x32xf32, #tpu.memory_space<hbm>>) dst(%arg13 : memref<512x32xf32, #tpu.memory_space<vmem>>)
    %dma_wait3A_23 = arith.constant 0 : i32
    %dma_wait3A_24 = tpu.memref_slice %arg6[%dma_wait3A_23] : memref<1000000xf32, #tpu.memory_space<hbm>> -> memref<1000000xf32, #tpu.memory_space<hbm>>
    tpu.wait_indirect_dma semaphore(%arg20 : memref<!tpu.dma_semaphore, #tpu.memory_space<semaphore_mem>>) src(%dma_wait3A_24 : memref<1000000xf32, #tpu.memory_space<hbm>>) dst(%arg14 : memref<512xf32, #tpu.memory_space<vmem>>)
    %dma_wait3A_25 = arith.constant 0 : i32
    %dma_wait3A_26 = tpu.memref_slice %arg7[%dma_wait3A_25] : memref<100000xf32, #tpu.memory_space<hbm>> -> memref<100000xf32, #tpu.memory_space<hbm>>
    tpu.wait_indirect_dma semaphore(%arg21 : memref<!tpu.dma_semaphore, #tpu.memory_space<semaphore_mem>>) src(%dma_wait3A_26 : memref<100000xf32, #tpu.memory_space<hbm>>) dst(%arg15 : memref<512xf32, #tpu.memory_space<vmem>>)
    %scan3A = arith.constant 0 : i32
    %scan3A_27 = arith.constant 0 : i32
    %scan3A_28 = arith.constant 32 : i32
    %scan3A_29 = arith.addi %scan3A_27, %scan3A_28 : i32
    %scan3A_30 = arith.constant 1 : i32
    %scan3A_31 = scf.for %scan3A_33 = %scan3A_27 to %scan3A_29 step %scan3A_30 iter_args(%scan3A_34 = %scan3A) -> (i32)  : i32 {
      %mul3A_35 = arith.constant 16 : i32
      %mul3A_36 = arith.muli %scan3A_33, %mul3A_35 : i32
      %add3A_37 = arith.constant 0 : i32
      %add3A_38 = arith.addi %mul3A_36, %add3A_37 : i32
      %get3A_39 = arith.index_cast %add3A_38 : i32 to index
      %get3A_40 = arith.constant 0 : index
      %get3A_41 = tpu.vector_load %arg12[%get3A_39, %get3A_40] {strides = array<i32>} : memref<512x32xf32, #tpu.memory_space<vmem>>, vector<16xf32>,
      %get3A_42 = arith.index_cast %add3A_38 : i32 to index
      %get3A_43 = arith.constant 16 : index
      %get3A_44 = tpu.vector_load %arg12[%get3A_42, %get3A_43] {strides = array<i32>} : memref<512x32xf32, #tpu.memory_space<vmem>>, vector<16xf32>,
      %get3A_45 = arith.index_cast %add3A_38 : i32 to index
      %get3A_46 = arith.constant 0 : index
      %get3A_47 = tpu.vector_load %arg13[%get3A_45, %get3A_46] {strides = array<i32>} : memref<512x32xf32, #tpu.memory_space<vmem>>, vector<16xf32>,
      %get3A_48 = arith.index_cast %add3A_38 : i32 to index
      %get3A_49 = arith.constant 16 : index
      %get3A_50 = tpu.vector_load %arg13[%get3A_48, %get3A_49] {strides = array<i32>} : memref<512x32xf32, #tpu.memory_space<vmem>>, vector<16xf32>,
      %mul3A_51 = arith.mulf %get3A_41, %get3A_47 : vector<16xf32>
      %mul3A_52 = arith.mulf %get3A_44, %get3A_50 : vector<16xf32>
      %add3A_53 = arith.addf %mul3A_51, %mul3A_52 : vector<16xf32>
      %broadcast_in_dim3A = arith.constant true
      %broadcast_in_dim3A_54 = vector.broadcast %broadcast_in_dim3A : i1 to vector<16xi1>
      %masked_cumsum3A = tpu.scan <sum>, %add3A_53 masked %broadcast_in_dim3A_54 : vector<16xf32>, vector<16xi1> -> vector<16xf32>
      %broadcast_in_dim3A_55 = vector.broadcast %add3A_38 : i32 to vector<16xi32>
      tpu.vector_store_idx %arg16[%broadcast_in_dim3A_55], %masked_cumsum3A masked %eq3A_17 : memref<512xf32, #tpu.memory_space<vmem>>[vector<16xi32>], vector<16xf32>, vector<16xi1>
      %add3A_56 = arith.constant 1 : i32
      %add3A_57 = arith.addi %mul3A_36, %add3A_56 : i32
      %get3A_58 = arith.index_cast %add3A_57 : i32 to index
      %get3A_59 = arith.constant 0 : index
      %get3A_60 = tpu.vector_load %arg12[%get3A_58, %get3A_59] {strides = array<i32>} : memref<512x32xf32, #tpu.memory_space<vmem>>, vector<16xf32>,
      %get3A_61 = arith.index_cast %add3A_57 : i32 to index
      %get3A_62 = arith.constant 16 : index
      %get3A_63 = tpu.vector_load %arg12[%get3A_61, %get3A_62] {strides = array<i32>} : memref<512x32xf32, #tpu.memory_space<vmem>>, vector<16xf32>,
      %get3A_64 = arith.index_cast %add3A_57 : i32 to index
      %get3A_65 = arith.constant 0 : index
      %get3A_66 = tpu.vector_load %arg13[%get3A_64, %get3A_65] {strides = array<i32>} : memref<512x32xf32, #tpu.memory_space<vmem>>, vector<16xf32>,
      %get3A_67 = arith.index_cast %add3A_57 : i32 to index
      %get3A_68 = arith.constant 16 : index
      %get3A_69 = tpu.vector_load %arg13[%get3A_67, %get3A_68] {strides = array<i32>} : memref<512x32xf32, #tpu.memory_space<vmem>>, vector<16xf32>,
      %mul3A_70 = arith.mulf %get3A_60, %get3A_66 : vector<16xf32>
      %mul3A_71 = arith.mulf %get3A_63, %get3A_69 : vector<16xf32>
      %add3A_72 = arith.addf %mul3A_70, %mul3A_71 : vector<16xf32>
      %broadcast_in_dim3A_73 = arith.constant true
      %broadcast_in_dim3A_74 = vector.broadcast %broadcast_in_dim3A_73 : i1 to vector<16xi1>
      %masked_cumsum3A_75 = tpu.scan <sum>, %add3A_72 masked %broadcast_in_dim3A_74 : vector<16xf32>, vector<16xi1> -> vector<16xf32>
      %broadcast_in_dim3A_76 = vector.broadcast %add3A_57 : i32 to vector<16xi32>
      tpu.vector_store_idx %arg16[%broadcast_in_dim3A_76], %masked_cumsum3A_75 masked %eq3A_17 : memref<512xf32, #tpu.memory_space<vmem>>[vector<16xi32>], vector<16xf32>, vector<16xi1>
      %add3A_77 = arith.constant 2 : i32
      %add3A_78 = arith.addi %mul3A_36, %add3A_77 : i32
      %get3A_79 = arith.index_cast %add3A_78 : i32 to index
      %get3A_80 = arith.constant 0 : index
      %get3A_81 = tpu.vector_load %arg12[%get3A_79, %get3A_80] {strides = array<i32>} : memref<512x32xf32, #tpu.memory_space<vmem>>, vector<16xf32>,
      %get3A_82 = arith.index_cast %add3A_78 : i32 to index
      %get3A_83 = arith.constant 16 : index
      %get3A_84 = tpu.vector_load %arg12[%get3A_82, %get3A_83] {strides = array<i32>} : memref<512x32xf32, #tpu.memory_space<vmem>>, vector<16xf32>,
      %get3A_85 = arith.index_cast %add3A_78 : i32 to index
      %get3A_86 = arith.constant 0 : index
      %get3A_87 = tpu.vector_load %arg13[%get3A_85, %get3A_86] {strides = array<i32>} : memref<512x32xf32, #tpu.memory_space<vmem>>, vector<16xf32>,
      %get3A_88 = arith.index_cast %add3A_78 : i32 to index
      %get3A_89 = arith.constant 16 : index
      %get3A_90 = tpu.vector_load %arg13[%get3A_88, %get3A_89] {strides = array<i32>} : memref<512x32xf32, #tpu.memory_space<vmem>>, vector<16xf32>,
      %mul3A_91 = arith.mulf %get3A_81, %get3A_87 : vector<16xf32>
      %mul3A_92 = arith.mulf %get3A_84, %get3A_90 : vector<16xf32>
      %add3A_93 = arith.addf %mul3A_91, %mul3A_92 : vector<16xf32>
      %broadcast_in_dim3A_94 = arith.constant true
      %broadcast_in_dim3A_95 = vector.broadcast %broadcast_in_dim3A_94 : i1 to vector<16xi1>
      %masked_cumsum3A_96 = tpu.scan <sum>, %add3A_93 masked %broadcast_in_dim3A_95 : vector<16xf32>, vector<16xi1> -> vector<16xf32>
      %broadcast_in_dim3A_97 = vector.broadcast %add3A_78 : i32 to vector<16xi32>
      tpu.vector_store_idx %arg16[%broadcast_in_dim3A_97], %masked_cumsum3A_96 masked %eq3A_17 : memref<512xf32, #tpu.memory_space<vmem>>[vector<16xi32>], vector<16xf32>, vector<16xi1>
      %add3A_98 = arith.constant 3 : i32
      %add3A_99 = arith.addi %mul3A_36, %add3A_98 : i32
      %get3A_100 = arith.index_cast %add3A_99 : i32 to index
      %get3A_101 = arith.constant 0 : index
      %get3A_102 = tpu.vector_load %arg12[%get3A_100, %get3A_101] {strides = array<i32>} : memref<512x32xf32, #tpu.memory_space<vmem>>, vector<16xf32>,
      %get3A_103 = arith.index_cast %add3A_99 : i32 to index
      %get3A_104 = arith.constant 16 : index
      %get3A_105 = tpu.vector_load %arg12[%get3A_103, %get3A_104] {strides = array<i32>} : memref<512x32xf32, #tpu.memory_space<vmem>>, vector<16xf32>,
      %get3A_106 = arith.index_cast %add3A_99 : i32 to index
      %get3A_107 = arith.constant 0 : index
      %get3A_108 = tpu.vector_load %arg13[%get3A_106, %get3A_107] {strides = array<i32>} : memref<512x32xf32, #tpu.memory_space<vmem>>, vector<16xf32>,
      %get3A_109 = arith.index_cast %add3A_99 : i32 to index
      %get3A_110 = arith.constant 16 : index
      %get3A_111 = tpu.vector_load %arg13[%get3A_109, %get3A_110] {strides = array<i32>} : memref<512x32xf32, #tpu.memory_space<vmem>>, vector<16xf32>,
      %mul3A_112 = arith.mulf %get3A_102, %get3A_108 : vector<16xf32>
      %mul3A_113 = arith.mulf %get3A_105, %get3A_111 : vector<16xf32>
      %add3A_114 = arith.addf %mul3A_112, %mul3A_113 : vector<16xf32>
      %broadcast_in_dim3A_115 = arith.constant true
      %broadcast_in_dim3A_116 = vector.broadcast %broadcast_in_dim3A_115 : i1 to vector<16xi1>
      %masked_cumsum3A_117 = tpu.scan <sum>, %add3A_114 masked %broadcast_in_dim3A_116 : vector<16xf32>, vector<16xi1> -> vector<16xf32>
      %broadcast_in_dim3A_118 = vector.broadcast %add3A_99 : i32 to vector<16xi32>
      tpu.vector_store_idx %arg16[%broadcast_in_dim3A_118], %masked_cumsum3A_117 masked %eq3A_17 : memref<512xf32, #tpu.memory_space<vmem>>[vector<16xi32>], vector<16xf32>, vector<16xi1>
      %add3A_119 = arith.constant 4 : i32
      %add3A_120 = arith.addi %mul3A_36, %add3A_119 : i32
      %get3A_121 = arith.index_cast %add3A_120 : i32 to index
      %get3A_122 = arith.constant 0 : index
      %get3A_123 = tpu.vector_load %arg12[%get3A_121, %get3A_122] {strides = array<i32>} : memref<512x32xf32, #tpu.memory_space<vmem>>, vector<16xf32>,
      %get3A_124 = arith.index_cast %add3A_120 : i32 to index
      %get3A_125 = arith.constant 16 : index
      %get3A_126 = tpu.vector_load %arg12[%get3A_124, %get3A_125] {strides = array<i32>} : memref<512x32xf32, #tpu.memory_space<vmem>>, vector<16xf32>,
      %get3A_127 = arith.index_cast %add3A_120 : i32 to index
      %get3A_128 = arith.constant 0 : index
      %get3A_129 = tpu.vector_load %arg13[%get3A_127, %get3A_128] {strides = array<i32>} : memref<512x32xf32, #tpu.memory_space<vmem>>, vector<16xf32>,
      %get3A_130 = arith.index_cast %add3A_120 : i32 to index
      %get3A_131 = arith.constant 16 : index
      %get3A_132 = tpu.vector_load %arg13[%get3A_130, %get3A_131] {strides = array<i32>} : memref<512x32xf32, #tpu.memory_space<vmem>>, vector<16xf32>,
      %mul3A_133 = arith.mulf %get3A_123, %get3A_129 : vector<16xf32>
      %mul3A_134 = arith.mulf %get3A_126, %get3A_132 : vector<16xf32>
      %add3A_135 = arith.addf %mul3A_133, %mul3A_134 : vector<16xf32>
      %broadcast_in_dim3A_136 = arith.constant true
      %broadcast_in_dim3A_137 = vector.broadcast %broadcast_in_dim3A_136 : i1 to vector<16xi1>
      %masked_cumsum3A_138 = tpu.scan <sum>, %add3A_135 masked %broadcast_in_dim3A_137 : vector<16xf32>, vector<16xi1> -> vector<16xf32>
      %broadcast_in_dim3A_139 = vector.broadcast %add3A_120 : i32 to vector<16xi32>
      tpu.vector_store_idx %arg16[%broadcast_in_dim3A_139], %masked_cumsum3A_138 masked %eq3A_17 : memref<512xf32, #tpu.memory_space<vmem>>[vector<16xi32>], vector<16xf32>, vector<16xi1>
      %add3A_140 = arith.constant 5 : i32
      %add3A_141 = arith.addi %mul3A_36, %add3A_140 : i32
      %get3A_142 = arith.index_cast %add3A_141 : i32 to index
      %get3A_143 = arith.constant 0 : index
      %get3A_144 = tpu.vector_load %arg12[%get3A_142, %get3A_143] {strides = array<i32>} : memref<512x32xf32, #tpu.memory_space<vmem>>, vector<16xf32>,
      %get3A_145 = arith.index_cast %add3A_141 : i32 to index
      %get3A_146 = arith.constant 16 : index
      %get3A_147 = tpu.vector_load %arg12[%get3A_145, %get3A_146] {strides = array<i32>} : memref<512x32xf32, #tpu.memory_space<vmem>>, vector<16xf32>,
      %get3A_148 = arith.index_cast %add3A_141 : i32 to index
      %get3A_149 = arith.constant 0 : index
      %get3A_150 = tpu.vector_load %arg13[%get3A_148, %get3A_149] {strides = array<i32>} : memref<512x32xf32, #tpu.memory_space<vmem>>, vector<16xf32>,
      %get3A_151 = arith.index_cast %add3A_141 : i32 to index
      %get3A_152 = arith.constant 16 : index
      %get3A_153 = tpu.vector_load %arg13[%get3A_151, %get3A_152] {strides = array<i32>} : memref<512x32xf32, #tpu.memory_space<vmem>>, vector<16xf32>,
      %mul3A_154 = arith.mulf %get3A_144, %get3A_150 : vector<16xf32>
      %mul3A_155 = arith.mulf %get3A_147, %get3A_153 : vector<16xf32>
      %add3A_156 = arith.addf %mul3A_154, %mul3A_155 : vector<16xf32>
      %broadcast_in_dim3A_157 = arith.constant true
      %broadcast_in_dim3A_158 = vector.broadcast %broadcast_in_dim3A_157 : i1 to vector<16xi1>
      %masked_cumsum3A_159 = tpu.scan <sum>, %add3A_156 masked %broadcast_in_dim3A_158 : vector<16xf32>, vector<16xi1> -> vector<16xf32>
      %broadcast_in_dim3A_160 = vector.broadcast %add3A_141 : i32 to vector<16xi32>
      tpu.vector_store_idx %arg16[%broadcast_in_dim3A_160], %masked_cumsum3A_159 masked %eq3A_17 : memref<512xf32, #tpu.memory_space<vmem>>[vector<16xi32>], vector<16xf32>, vector<16xi1>
      %add3A_161 = arith.constant 6 : i32
      %add3A_162 = arith.addi %mul3A_36, %add3A_161 : i32
      %get3A_163 = arith.index_cast %add3A_162 : i32 to index
      %get3A_164 = arith.constant 0 : index
      %get3A_165 = tpu.vector_load %arg12[%get3A_163, %get3A_164] {strides = array<i32>} : memref<512x32xf32, #tpu.memory_space<vmem>>, vector<16xf32>,
      %get3A_166 = arith.index_cast %add3A_162 : i32 to index
      %get3A_167 = arith.constant 16 : index
      %get3A_168 = tpu.vector_load %arg12[%get3A_166, %get3A_167] {strides = array<i32>} : memref<512x32xf32, #tpu.memory_space<vmem>>, vector<16xf32>,
      %get3A_169 = arith.index_cast %add3A_162 : i32 to index
      %get3A_170 = arith.constant 0 : index
      %get3A_171 = tpu.vector_load %arg13[%get3A_169, %get3A_170] {strides = array<i32>} : memref<512x32xf32, #tpu.memory_space<vmem>>, vector<16xf32>,
      %get3A_172 = arith.index_cast %add3A_162 : i32 to index
      %get3A_173 = arith.constant 16 : index
      %get3A_174 = tpu.vector_load %arg13[%get3A_172, %get3A_173] {strides = array<i32>} : memref<512x32xf32, #tpu.memory_space<vmem>>, vector<16xf32>,
      %mul3A_175 = arith.mulf %get3A_165, %get3A_171 : vector<16xf32>
      %mul3A_176 = arith.mulf %get3A_168, %get3A_174 : vector<16xf32>
      %add3A_177 = arith.addf %mul3A_175, %mul3A_176 : vector<16xf32>
      %broadcast_in_dim3A_178 = arith.constant true
      %broadcast_in_dim3A_179 = vector.broadcast %broadcast_in_dim3A_178 : i1 to vector<16xi1>
      %masked_cumsum3A_180 = tpu.scan <sum>, %add3A_177 masked %broadcast_in_dim3A_179 : vector<16xf32>, vector<16xi1> -> vector<16xf32>
      %broadcast_in_dim3A_181 = vector.broadcast %add3A_162 : i32 to vector<16xi32>
      tpu.vector_store_idx %arg16[%broadcast_in_dim3A_181], %masked_cumsum3A_180 masked %eq3A_17 : memref<512xf32, #tpu.memory_space<vmem>>[vector<16xi32>], vector<16xf32>, vector<16xi1>
      %add3A_182 = arith.constant 7 : i32
      %add3A_183 = arith.addi %mul3A_36, %add3A_182 : i32
      %get3A_184 = arith.index_cast %add3A_183 : i32 to index
      %get3A_185 = arith.constant 0 : index
      %get3A_186 = tpu.vector_load %arg12[%get3A_184, %get3A_185] {strides = array<i32>} : memref<512x32xf32, #tpu.memory_space<vmem>>, vector<16xf32>,
      %get3A_187 = arith.index_cast %add3A_183 : i32 to index
      %get3A_188 = arith.constant 16 : index
      %get3A_189 = tpu.vector_load %arg12[%get3A_187, %get3A_188] {strides = array<i32>} : memref<512x32xf32, #tpu.memory_space<vmem>>, vector<16xf32>,
      %get3A_190 = arith.index_cast %add3A_183 : i32 to index
      %get3A_191 = arith.constant 0 : index
      %get3A_192 = tpu.vector_load %arg13[%get3A_190, %get3A_191] {strides = array<i32>} : memref<512x32xf32, #tpu.memory_space<vmem>>, vector<16xf32>,
      %get3A_193 = arith.index_cast %add3A_183 : i32 to index
      %get3A_194 = arith.constant 16 : index
      %get3A_195 = tpu.vector_load %arg13[%get3A_193, %get3A_194] {strides = array<i32>} : memref<512x32xf32, #tpu.memory_space<vmem>>, vector<16xf32>,
      %mul3A_196 = arith.mulf %get3A_186, %get3A_192 : vector<16xf32>
      %mul3A_197 = arith.mulf %get3A_189, %get3A_195 : vector<16xf32>
      %add3A_198 = arith.addf %mul3A_196, %mul3A_197 : vector<16xf32>
      %broadcast_in_dim3A_199 = arith.constant true
      %broadcast_in_dim3A_200 = vector.broadcast %broadcast_in_dim3A_199 : i1 to vector<16xi1>
      %masked_cumsum3A_201 = tpu.scan <sum>, %add3A_198 masked %broadcast_in_dim3A_200 : vector<16xf32>, vector<16xi1> -> vector<16xf32>
      %broadcast_in_dim3A_202 = vector.broadcast %add3A_183 : i32 to vector<16xi32>
      tpu.vector_store_idx %arg16[%broadcast_in_dim3A_202], %masked_cumsum3A_201 masked %eq3A_17 : memref<512xf32, #tpu.memory_space<vmem>>[vector<16xi32>], vector<16xf32>, vector<16xi1>
      %add3A_203 = arith.constant 8 : i32
      %add3A_204 = arith.addi %mul3A_36, %add3A_203 : i32
      %get3A_205 = arith.index_cast %add3A_204 : i32 to index
      %get3A_206 = arith.constant 0 : index
      %get3A_207 = tpu.vector_load %arg12[%get3A_205, %get3A_206] {strides = array<i32>} : memref<512x32xf32, #tpu.memory_space<vmem>>, vector<16xf32>,
      %get3A_208 = arith.index_cast %add3A_204 : i32 to index
      %get3A_209 = arith.constant 16 : index
      %get3A_210 = tpu.vector_load %arg12[%get3A_208, %get3A_209] {strides = array<i32>} : memref<512x32xf32, #tpu.memory_space<vmem>>, vector<16xf32>,
      %get3A_211 = arith.index_cast %add3A_204 : i32 to index
      %get3A_212 = arith.constant 0 : index
      %get3A_213 = tpu.vector_load %arg13[%get3A_211, %get3A_212] {strides = array<i32>} : memref<512x32xf32, #tpu.memory_space<vmem>>, vector<16xf32>,
      %get3A_214 = arith.index_cast %add3A_204 : i32 to index
      %get3A_215 = arith.constant 16 : index
      %get3A_216 = tpu.vector_load %arg13[%get3A_214, %get3A_215] {strides = array<i32>} : memref<512x32xf32, #tpu.memory_space<vmem>>, vector<16xf32>,
      %mul3A_217 = arith.mulf %get3A_207, %get3A_213 : vector<16xf32>
      %mul3A_218 = arith.mulf %get3A_210, %get3A_216 : vector<16xf32>
      %add3A_219 = arith.addf %mul3A_217, %mul3A_218 : vector<16xf32>
      %broadcast_in_dim3A_220 = arith.constant true
      %broadcast_in_dim3A_221 = vector.broadcast %broadcast_in_dim3A_220 : i1 to vector<16xi1>
      %masked_cumsum3A_222 = tpu.scan <sum>, %add3A_219 masked %broadcast_in_dim3A_221 : vector<16xf32>, vector<16xi1> -> vector<16xf32>
      %broadcast_in_dim3A_223 = vector.broadcast %add3A_204 : i32 to vector<16xi32>
      tpu.vector_store_idx %arg16[%broadcast_in_dim3A_223], %masked_cumsum3A_222 masked %eq3A_17 : memref<512xf32, #tpu.memory_space<vmem>>[vector<16xi32>], vector<16xf32>, vector<16xi1>
      %add3A_224 = arith.constant 9 : i32
      %add3A_225 = arith.addi %mul3A_36, %add3A_224 : i32
      %get3A_226 = arith.index_cast %add3A_225 : i32 to index
      %get3A_227 = arith.constant 0 : index
      %get3A_228 = tpu.vector_load %arg12[%get3A_226, %get3A_227] {strides = array<i32>} : memref<512x32xf32, #tpu.memory_space<vmem>>, vector<16xf32>,
      %get3A_229 = arith.index_cast %add3A_225 : i32 to index
      %get3A_230 = arith.constant 16 : index
      %get3A_231 = tpu.vector_load %arg12[%get3A_229, %get3A_230] {strides = array<i32>} : memref<512x32xf32, #tpu.memory_space<vmem>>, vector<16xf32>,
      %get3A_232 = arith.index_cast %add3A_225 : i32 to index
      %get3A_233 = arith.constant 0 : index
      %get3A_234 = tpu.vector_load %arg13[%get3A_232, %get3A_233] {strides = array<i32>} : memref<512x32xf32, #tpu.memory_space<vmem>>, vector<16xf32>,
      %get3A_235 = arith.index_cast %add3A_225 : i32 to index
      %get3A_236 = arith.constant 16 : index
      %get3A_237 = tpu.vector_load %arg13[%get3A_235, %get3A_236] {strides = array<i32>} : memref<512x32xf32, #tpu.memory_space<vmem>>, vector<16xf32>,
      %mul3A_238 = arith.mulf %get3A_228, %get3A_234 : vector<16xf32>
      %mul3A_239 = arith.mulf %get3A_231, %get3A_237 : vector<16xf32>
      %add3A_240 = arith.addf %mul3A_238, %mul3A_239 : vector<16xf32>
      %broadcast_in_dim3A_241 = arith.constant true
      %broadcast_in_dim3A_242 = vector.broadcast %broadcast_in_dim3A_241 : i1 to vector<16xi1>
      %masked_cumsum3A_243 = tpu.scan <sum>, %add3A_240 masked %broadcast_in_dim3A_242 : vector<16xf32>, vector<16xi1> -> vector<16xf32>
      %broadcast_in_dim3A_244 = vector.broadcast %add3A_225 : i32 to vector<16xi32>
      tpu.vector_store_idx %arg16[%broadcast_in_dim3A_244], %masked_cumsum3A_243 masked %eq3A_17 : memref<512xf32, #tpu.memory_space<vmem>>[vector<16xi32>], vector<16xf32>, vector<16xi1>
      %add3A_245 = arith.constant 10 : i32
      %add3A_246 = arith.addi %mul3A_36, %add3A_245 : i32
      %get3A_247 = arith.index_cast %add3A_246 : i32 to index
      %get3A_248 = arith.constant 0 : index
      %get3A_249 = tpu.vector_load %arg12[%get3A_247, %get3A_248] {strides = array<i32>} : memref<512x32xf32, #tpu.memory_space<vmem>>, vector<16xf32>,
      %get3A_250 = arith.index_cast %add3A_246 : i32 to index
      %get3A_251 = arith.constant 16 : index
      %get3A_252 = tpu.vector_load %arg12[%get3A_250, %get3A_251] {strides = array<i32>} : memref<512x32xf32, #tpu.memory_space<vmem>>, vector<16xf32>,
      %get3A_253 = arith.index_cast %add3A_246 : i32 to index
      %get3A_254 = arith.constant 0 : index
      %get3A_255 = tpu.vector_load %arg13[%get3A_253, %get3A_254] {strides = array<i32>} : memref<512x32xf32, #tpu.memory_space<vmem>>, vector<16xf32>,
      %get3A_256 = arith.index_cast %add3A_246 : i32 to index
      %get3A_257 = arith.constant 16 : index
      %get3A_258 = tpu.vector_load %arg13[%get3A_256, %get3A_257] {strides = array<i32>} : memref<512x32xf32, #tpu.memory_space<vmem>>, vector<16xf32>,
      %mul3A_259 = arith.mulf %get3A_249, %get3A_255 : vector<16xf32>
      %mul3A_260 = arith.mulf %get3A_252, %get3A_258 : vector<16xf32>
      %add3A_261 = arith.addf %mul3A_259, %mul3A_260 : vector<16xf32>
      %broadcast_in_dim3A_262 = arith.constant true
      %broadcast_in_dim3A_263 = vector.broadcast %broadcast_in_dim3A_262 : i1 to vector<16xi1>
      %masked_cumsum3A_264 = tpu.scan <sum>, %add3A_261 masked %broadcast_in_dim3A_263 : vector<16xf32>, vector<16xi1> -> vector<16xf32>
      %broadcast_in_dim3A_265 = vector.broadcast %add3A_246 : i32 to vector<16xi32>
      tpu.vector_store_idx %arg16[%broadcast_in_dim3A_265], %masked_cumsum3A_264 masked %eq3A_17 : memref<512xf32, #tpu.memory_space<vmem>>[vector<16xi32>], vector<16xf32>, vector<16xi1>
      %add3A_266 = arith.constant 11 : i32
      %add3A_267 = arith.addi %mul3A_36, %add3A_266 : i32
      %get3A_268 = arith.index_cast %add3A_267 : i32 to index
      %get3A_269 = arith.constant 0 : index
      %get3A_270 = tpu.vector_load %arg12[%get3A_268, %get3A_269] {strides = array<i32>} : memref<512x32xf32, #tpu.memory_space<vmem>>, vector<16xf32>,
      %get3A_271 = arith.index_cast %add3A_267 : i32 to index
      %get3A_272 = arith.constant 16 : index
      %get3A_273 = tpu.vector_load %arg12[%get3A_271, %get3A_272] {strides = array<i32>} : memref<512x32xf32, #tpu.memory_space<vmem>>, vector<16xf32>,
      %get3A_274 = arith.index_cast %add3A_267 : i32 to index
      %get3A_275 = arith.constant 0 : index
      %get3A_276 = tpu.vector_load %arg13[%get3A_274, %get3A_275] {strides = array<i32>} : memref<512x32xf32, #tpu.memory_space<vmem>>, vector<16xf32>,
      %get3A_277 = arith.index_cast %add3A_267 : i32 to index
      %get3A_278 = arith.constant 16 : index
      %get3A_279 = tpu.vector_load %arg13[%get3A_277, %get3A_278] {strides = array<i32>} : memref<512x32xf32, #tpu.memory_space<vmem>>, vector<16xf32>,
      %mul3A_280 = arith.mulf %get3A_270, %get3A_276 : vector<16xf32>
      %mul3A_281 = arith.mulf %get3A_273, %get3A_279 : vector<16xf32>
      %add3A_282 = arith.addf %mul3A_280, %mul3A_281 : vector<16xf32>
      %broadcast_in_dim3A_283 = arith.constant true
      %broadcast_in_dim3A_284 = vector.broadcast %broadcast_in_dim3A_283 : i1 to vector<16xi1>
      %masked_cumsum3A_285 = tpu.scan <sum>, %add3A_282 masked %broadcast_in_dim3A_284 : vector<16xf32>, vector<16xi1> -> vector<16xf32>
      %broadcast_in_dim3A_286 = vector.broadcast %add3A_267 : i32 to vector<16xi32>
      tpu.vector_store_idx %arg16[%broadcast_in_dim3A_286], %masked_cumsum3A_285 masked %eq3A_17 : memref<512xf32, #tpu.memory_space<vmem>>[vector<16xi32>], vector<16xf32>, vector<16xi1>
      %add3A_287 = arith.constant 12 : i32
      %add3A_288 = arith.addi %mul3A_36, %add3A_287 : i32
      %get3A_289 = arith.index_cast %add3A_288 : i32 to index
      %get3A_290 = arith.constant 0 : index
      %get3A_291 = tpu.vector_load %arg12[%get3A_289, %get3A_290] {strides = array<i32>} : memref<512x32xf32, #tpu.memory_space<vmem>>, vector<16xf32>,
      %get3A_292 = arith.index_cast %add3A_288 : i32 to index
      %get3A_293 = arith.constant 16 : index
      %get3A_294 = tpu.vector_load %arg12[%get3A_292, %get3A_293] {strides = array<i32>} : memref<512x32xf32, #tpu.memory_space<vmem>>, vector<16xf32>,
      %get3A_295 = arith.index_cast %add3A_288 : i32 to index
      %get3A_296 = arith.constant 0 : index
      %get3A_297 = tpu.vector_load %arg13[%get3A_295, %get3A_296] {strides = array<i32>} : memref<512x32xf32, #tpu.memory_space<vmem>>, vector<16xf32>,
      %get3A_298 = arith.index_cast %add3A_288 : i32 to index
      %get3A_299 = arith.constant 16 : index
      %get3A_300 = tpu.vector_load %arg13[%get3A_298, %get3A_299] {strides = array<i32>} : memref<512x32xf32, #tpu.memory_space<vmem>>, vector<16xf32>,
      %mul3A_301 = arith.mulf %get3A_291, %get3A_297 : vector<16xf32>
      %mul3A_302 = arith.mulf %get3A_294, %get3A_300 : vector<16xf32>
      %add3A_303 = arith.addf %mul3A_301, %mul3A_302 : vector<16xf32>
      %broadcast_in_dim3A_304 = arith.constant true
      %broadcast_in_dim3A_305 = vector.broadcast %broadcast_in_dim3A_304 : i1 to vector<16xi1>
      %masked_cumsum3A_306 = tpu.scan <sum>, %add3A_303 masked %broadcast_in_dim3A_305 : vector<16xf32>, vector<16xi1> -> vector<16xf32>
      %broadcast_in_dim3A_307 = vector.broadcast %add3A_288 : i32 to vector<16xi32>
      tpu.vector_store_idx %arg16[%broadcast_in_dim3A_307], %masked_cumsum3A_306 masked %eq3A_17 : memref<512xf32, #tpu.memory_space<vmem>>[vector<16xi32>], vector<16xf32>, vector<16xi1>
      %add3A_308 = arith.constant 13 : i32
      %add3A_309 = arith.addi %mul3A_36, %add3A_308 : i32
      %get3A_310 = arith.index_cast %add3A_309 : i32 to index
      %get3A_311 = arith.constant 0 : index
      %get3A_312 = tpu.vector_load %arg12[%get3A_310, %get3A_311] {strides = array<i32>} : memref<512x32xf32, #tpu.memory_space<vmem>>, vector<16xf32>,
      %get3A_313 = arith.index_cast %add3A_309 : i32 to index
      %get3A_314 = arith.constant 16 : index
      %get3A_315 = tpu.vector_load %arg12[%get3A_313, %get3A_314] {strides = array<i32>} : memref<512x32xf32, #tpu.memory_space<vmem>>, vector<16xf32>,
      %get3A_316 = arith.index_cast %add3A_309 : i32 to index
      %get3A_317 = arith.constant 0 : index
      %get3A_318 = tpu.vector_load %arg13[%get3A_316, %get3A_317] {strides = array<i32>} : memref<512x32xf32, #tpu.memory_space<vmem>>, vector<16xf32>,
      %get3A_319 = arith.index_cast %add3A_309 : i32 to index
      %get3A_320 = arith.constant 16 : index
      %get3A_321 = tpu.vector_load %arg13[%get3A_319, %get3A_320] {strides = array<i32>} : memref<512x32xf32, #tpu.memory_space<vmem>>, vector<16xf32>,
      %mul3A_322 = arith.mulf %get3A_312, %get3A_318 : vector<16xf32>
      %mul3A_323 = arith.mulf %get3A_315, %get3A_321 : vector<16xf32>
      %add3A_324 = arith.addf %mul3A_322, %mul3A_323 : vector<16xf32>
      %broadcast_in_dim3A_325 = arith.constant true
      %broadcast_in_dim3A_326 = vector.broadcast %broadcast_in_dim3A_325 : i1 to vector<16xi1>
      %masked_cumsum3A_327 = tpu.scan <sum>, %add3A_324 masked %broadcast_in_dim3A_326 : vector<16xf32>, vector<16xi1> -> vector<16xf32>
      %broadcast_in_dim3A_328 = vector.broadcast %add3A_309 : i32 to vector<16xi32>
      tpu.vector_store_idx %arg16[%broadcast_in_dim3A_328], %masked_cumsum3A_327 masked %eq3A_17 : memref<512xf32, #tpu.memory_space<vmem>>[vector<16xi32>], vector<16xf32>, vector<16xi1>
      %add3A_329 = arith.constant 14 : i32
      %add3A_330 = arith.addi %mul3A_36, %add3A_329 : i32
      %get3A_331 = arith.index_cast %add3A_330 : i32 to index
      %get3A_332 = arith.constant 0 : index
      %get3A_333 = tpu.vector_load %arg12[%get3A_331, %get3A_332] {strides = array<i32>} : memref<512x32xf32, #tpu.memory_space<vmem>>, vector<16xf32>,
      %get3A_334 = arith.index_cast %add3A_330 : i32 to index
      %get3A_335 = arith.constant 16 : index
      %get3A_336 = tpu.vector_load %arg12[%get3A_334, %get3A_335] {strides = array<i32>} : memref<512x32xf32, #tpu.memory_space<vmem>>, vector<16xf32>,
      %get3A_337 = arith.index_cast %add3A_330 : i32 to index
      %get3A_338 = arith.constant 0 : index
      %get3A_339 = tpu.vector_load %arg13[%get3A_337, %get3A_338] {strides = array<i32>} : memref<512x32xf32, #tpu.memory_space<vmem>>, vector<16xf32>,
      %get3A_340 = arith.index_cast %add3A_330 : i32 to index
      %get3A_341 = arith.constant 16 : index
      %get3A_342 = tpu.vector_load %arg13[%get3A_340, %get3A_341] {strides = array<i32>} : memref<512x32xf32, #tpu.memory_space<vmem>>, vector<16xf32>,
      %mul3A_343 = arith.mulf %get3A_333, %get3A_339 : vector<16xf32>
      %mul3A_344 = arith.mulf %get3A_336, %get3A_342 : vector<16xf32>
      %add3A_345 = arith.addf %mul3A_343, %mul3A_344 : vector<16xf32>
      %broadcast_in_dim3A_346 = arith.constant true
      %broadcast_in_dim3A_347 = vector.broadcast %broadcast_in_dim3A_346 : i1 to vector<16xi1>
      %masked_cumsum3A_348 = tpu.scan <sum>, %add3A_345 masked %broadcast_in_dim3A_347 : vector<16xf32>, vector<16xi1> -> vector<16xf32>
      %broadcast_in_dim3A_349 = vector.broadcast %add3A_330 : i32 to vector<16xi32>
      tpu.vector_store_idx %arg16[%broadcast_in_dim3A_349], %masked_cumsum3A_348 masked %eq3A_17 : memref<512xf32, #tpu.memory_space<vmem>>[vector<16xi32>], vector<16xf32>, vector<16xi1>
      %add3A_350 = arith.constant 15 : i32
      %add3A_351 = arith.addi %mul3A_36, %add3A_350 : i32
      %get3A_352 = arith.index_cast %add3A_351 : i32 to index
      %get3A_353 = arith.constant 0 : index
      %get3A_354 = tpu.vector_load %arg12[%get3A_352, %get3A_353] {strides = array<i32>} : memref<512x32xf32, #tpu.memory_space<vmem>>, vector<16xf32>,
      %get3A_355 = arith.index_cast %add3A_351 : i32 to index
      %get3A_356 = arith.constant 16 : index
      %get3A_357 = tpu.vector_load %arg12[%get3A_355, %get3A_356] {strides = array<i32>} : memref<512x32xf32, #tpu.memory_space<vmem>>, vector<16xf32>,
      %get3A_358 = arith.index_cast %add3A_351 : i32 to index
      %get3A_359 = arith.constant 0 : index
      %get3A_360 = tpu.vector_load %arg13[%get3A_358, %get3A_359] {strides = array<i32>} : memref<512x32xf32, #tpu.memory_space<vmem>>, vector<16xf32>,
      %get3A_361 = arith.index_cast %add3A_351 : i32 to index
      %get3A_362 = arith.constant 16 : index
      %get3A_363 = tpu.vector_load %arg13[%get3A_361, %get3A_362] {strides = array<i32>} : memref<512x32xf32, #tpu.memory_space<vmem>>, vector<16xf32>,
      %mul3A_364 = arith.mulf %get3A_354, %get3A_360 : vector<16xf32>
      %mul3A_365 = arith.mulf %get3A_357, %get3A_363 : vector<16xf32>
      %add3A_366 = arith.addf %mul3A_364, %mul3A_365 : vector<16xf32>
      %broadcast_in_dim3A_367 = arith.constant true
      %broadcast_in_dim3A_368 = vector.broadcast %broadcast_in_dim3A_367 : i1 to vector<16xi1>
      %masked_cumsum3A_369 = tpu.scan <sum>, %add3A_366 masked %broadcast_in_dim3A_368 : vector<16xf32>, vector<16xi1> -> vector<16xf32>
      %broadcast_in_dim3A_370 = vector.broadcast %add3A_351 : i32 to vector<16xi32>
      tpu.vector_store_idx %arg16[%broadcast_in_dim3A_370], %masked_cumsum3A_369 masked %eq3A_17 : memref<512xf32, #tpu.memory_space<vmem>>[vector<16xi32>], vector<16xf32>, vector<16xi1>
      %get3A_371 = arith.index_cast %mul3A_36 : i32 to index
      %get3A_372 = tpu.vector_load %arg16[%get3A_371] {strides = array<i32>} : memref<512xf32, #tpu.memory_space<vmem>>, vector<16xf32>,
      %get3A_373 = arith.index_cast %mul3A_36 : i32 to index
      %get3A_374 = tpu.vector_load %arg14[%get3A_373] {strides = array<i32>} : memref<512xf32, #tpu.memory_space<vmem>>, vector<16xf32>,
      %add3A_375 = arith.addf %add3A_15, %get3A_374 : vector<16xf32>
      %get3A_376 = arith.index_cast %mul3A_36 : i32 to index
      %get3A_377 = tpu.vector_load %arg15[%get3A_376] {strides = array<i32>} : memref<512xf32, #tpu.memory_space<vmem>>, vector<16xf32>,
      %add3A_378 = arith.addf %add3A_375, %get3A_377 : vector<16xf32>
      %add3A_379 = arith.addf %get3A_372, %add3A_378 : vector<16xf32>
      %swap3A = arith.index_cast %mul3A_36 : i32 to index
      %swap3A_380 = tpu.vector_load %arg16[%swap3A] {strides = array<i32>} : memref<512xf32, #tpu.memory_space<vmem>>, vector<16xf32>,
      tpu.vector_store %arg16[%swap3A], %add3A_379 {strides = array<i32>} : memref<512xf32, #tpu.memory_space<vmem>>, vector<16xf32>,
      %scan3A_381 = arith.constant 0 : i32
      scf.yield %scan3A_381 : i32
    }
    %scan3A_32 = arith.constant 32 : i32
    "tpu.region"() ({
      %run_scoped3A = tpu.sem_alloc : memref<!tpu.dma_semaphore, #tpu.memory_space<semaphore_mem>>
      %dma_start3A_33 = tpu.memref_slice %arg9[%mul3A_2] : memref<16384xf32, #tpu.memory_space<hbm>> -> memref<512xf32, #tpu.memory_space<hbm>>
      %dma_start3A_34 = tpu.memref_slice %arg9[%mul3A_2] : memref<16384xf32, #tpu.memory_space<hbm>> -> memref<512xf32, #tpu.memory_space<hbm>>
      tpu.enqueue_dma source(%arg16 : memref<512xf32, #tpu.memory_space<vmem>>) target(%dma_start3A_34 : memref<512xf32, #tpu.memory_space<hbm>>) target_semaphore(%run_scoped3A : memref<!tpu.dma_semaphore, #tpu.memory_space<semaphore_mem>>)
      %dma_wait3A_35 = tpu.memref_slice %arg9[%mul3A_2] : memref<16384xf32, #tpu.memory_space<hbm>> -> memref<512xf32, #tpu.memory_space<hbm>>
      %dma_wait3A_36 = tpu.memref_slice %arg9[%mul3A_2] : memref<16384xf32, #tpu.memory_space<hbm>> -> memref<512xf32, #tpu.memory_space<hbm>>
      tpu.wait_dma2 semaphore(%run_scoped3A : memref<!tpu.dma_semaphore, #tpu.memory_space<semaphore_mem>>) src(%arg16 : memref<512xf32, #tpu.memory_space<vmem>>) dst(%dma_wait3A_36 : memref<512xf32, #tpu.memory_space<hbm>>)
      tpu.yield
    }) : () -> ()
    return
  }
}

</mosaic_0001>

<sc_bundles>
// kernel: _mf.3.cloned.1.call-start
scs
__scs_entry_jumppad:
0x0: {  	(pc) =	sbr.rel $0x88, $3  }
0x1: {  	(tag) =	ssettag $0x0;
	lr =	simm.s32 $0x1  }
0x2: {  	[smem:$0x3F9A] =	sst lr;
	_ =	strace $0xD0000000  }
0x3: {  	_ = 	snop  }
0x4: {  	_ = 	snop  }
0x5: {  	_ = 	snop  }
0x6: {  	_ = 	snop  }
0x7: {  	_ = 	snop  }
__scs_overlays_trampoline_lowered:
0x8: {  	[smem:$0x3FA9] =	sst s0  }
0x9: {  	[smem:$0x3FAA] =	sst s1  }
0xa: {  	[smem:$0x3FAB] =	sst s2  }
0xb: {  	[smem:$0x3FAC] =	sst s3  }
0xc: {  	[smem:$0x3FAD] =	sst s4  }
0xd: {  	[smem:$0x3FAE] =	sst s5  }
0xe: {  	[smem:$0x3FAF] =	sst s6  }
0xf: {  	[smem:$0x3FB0] =	sst s7  }
0x10: {  	[smem:$0x3FB1] =	sst s8  }
0x11: {  	[smem:$0x3FB2] =	sst s9;
	s0 =	simm.s32 @!p0 $0x0  }
0x12: {  	s1 =	sld [smem:$0x3F98];
	s0 =	simm.s32 @p0 $0x1  }
0x13: {  	[smem:$0x3FB3] =	sst s0;
	s0 =	simm.s32 @!p1 $0x0  }
0x14: {  	s2 =	sld [smem:$0x3F97];
	s0 =	simm.s32 @p1 $0x1  }
0x15: {  	[smem:$0x3FB4] =	sst s0;
	s0 =	simm.s32 @!p2 $0x0  }
0x16: {  	s3 =	sld [smem:$0x3FDB];
	s0 =	simm.s32 @p2 $0x1  }
0x17: {  	s4 =	simm.s32 $0x1BF5;
	[smem:$0x3FB6] =	sst s0  }
0x18: {  	s0 =	sld [smem:$0x3F99];
	_ =	swait.ge [sflag:s4], $0x0  }
0x19: {  	s7 =	sld [smem:$0x3F9A]  }
0x1a: {  	s8 =	sadd.s32 $0xFFFFE003, lr  }
0x1b: {  	s9 =	sadd.s32 $0xFFFFFEF7, lr;
	s5 =	simm.s32 $0xFFFFFFFF;
	p2 =	slt.u32 s8, $0xFFFFF086  }
0x1c: {  	p1 =	slt.u32 s9, $0xF7A;
	s5 =	simm.s32 @!p2 $0x0  }
0x1d: {  	s5 =	simm.s32 @p1 $0x1;
	p0 =	seq.s32 s7, s2  }
0x1e: {  	s7 =	smul.u32 @!p0 $0xF7A, s2;
	p2 =	seq.s32 @!p0 s5, $0x0  }
0x1f: {  	s9 =	smul.u32 $0xF7A, s1;
	s8 =	simm.s32 @!p0 $0x1BF5;
	p2 =	por !p2, p0  }
0x20: {  	[sflag:s8] =	ssyncset.s32 @!p0 $0xFFFFF086;
	s6 =	sadd.s32 @!p0 s3, s7;
	s7 =	simm.s32 @!p0 $0x108  }
0x21: {  	s3 =	sadd.s32 s3, s9;
	s6 =	sadd.s32 @!p0 $0x88, s6;
	s7 =	simm.s32 @p2 $0x1082  }
0x22: {  	[simem:s7], [sflag:s8] =	dma.local @!p0 [hbm:s6], $0xF7A  }
0x23: {  	s9 =	sor.u32 $0xD0000000, s2;
	s6 =	simm.s32 $0x108;
	_ =	swait.ge @!p0 [sflag:s8], $0x0  }
0x24: {  	s3 =	sadd.s32 $0x88, s3;
	s6 =	simm.s32 @!p1 $0x1082;
	[sflag:s4] =	ssyncset.s32 $0xFFFFF086  }
0x25: {  	[simem:s6], [sflag:s4] =	dma.local [hbm:s3], $0xF7A  }
0x26: {  	[smem:$0x3F9A] =	sst s1;
	(tag) =	ssettag s2;
	_ =	strace s9  }
0x27: {  	s1 =	sld [smem:$0x3FAA]  }
0x28: {  	s2 =	sld [smem:$0x3FAB]  }
0x29: {  	s4 =	sld [smem:$0x3FAD]  }
0x2a: {  	p0 =	seq.s32 s5, $0x0;
	s5 =	sld [smem:$0x3FAE]  }
0x2b: {  	s6 =	sld [smem:$0x3FAF]  }
0x2c: {  	s7 =	sld [smem:$0x3FB0]  }
0x2d: {  	s3 =	simm.s32 $0x108;
	s8 =	sld [smem:$0x3FB1]  }
0x2e: {  	s3 =	simm.s32 @!p0 $0x1082;
	s9 =	sld [smem:$0x3FB2]  }
0x2f: {  	lr =	sadd.s32 s0, s3;
	s0 =	sld [smem:$0x3FA9]  }
0x30: {  	s3 =	sld [smem:$0x3FAC]  }
0x31: {  	[smem:$0x3FB5] =	sst s10  }
0x32: {  	s10 =	sld [smem:$0x3FB3];
	_ =	sdelay $0x3  }
0x33: {  	p0 =	seq.s32 s10, $0x1;
	s10 =	sld [smem:$0x3FB5];
	_ =	sdelay $0x3  }
0x34: {  	[smem:$0x3FB5] =	sst s10  }
0x35: {  	s10 =	sld [smem:$0x3FB4];
	_ =	sdelay $0x3  }
0x36: {  	p1 =	seq.s32 s10, $0x1;
	s10 =	sld [smem:$0x3FB5];
	_ =	sdelay $0x3  }
0x37: {  	[smem:$0x3FB5] =	sst s10  }
0x38: {  	s10 =	sld [smem:$0x3FB6]  }
0x39: {  	_ = 	snop;
	(pc) =	sbr.ind lr, $3  }
0x3a: {  	_ = 	snop  }
0x3b: {  	_ = 	snop  }
0x3c: {  	p2 =	seq.s32 s10, $0x1;
	s10 =	sld [smem:$0x3FB5]  }
0x3d: {  	_ =	shalt  }
0x3e: {  	_ =	shalt  }
0x3f: {  	_ =	shalt  }
0x40: {  	_ =	shalt  }
0x41: {  	_ =	shalt  }
0x42: {  	_ =	shalt  }
0x43: {  	_ =	shalt  }
0x44: {  	_ =	shalt  }
0x45: {  	_ =	shalt  }
0x46: {  	_ =	shalt  }
0x47: {  	_ =	shalt  }
0x48: {  	_ =	shalt  }
0x49: {  	_ =	shalt  }
0x4a: {  	_ =	shalt  }
0x4b: {  	_ =	shalt  }
0x4c: {  	_ =	shalt  }
0x4d: {  	_ =	shalt  }
0x4e: {  	_ =	shalt  }
0x4f: {  	_ =	shalt  }
0x50: {  	_ =	shalt  }
0x51: {  	_ =	shalt  }
0x52: {  	_ =	shalt  }
0x53: {  	_ =	shalt  }
0x54: {  	_ =	shalt  }
0x55: {  	_ =	shalt  }
0x56: {  	_ =	shalt  }
0x57: {  	_ =	shalt  }
0x58: {  	_ =	shalt  }
0x59: {  	_ =	shalt  }
0x5a: {  	_ =	shalt  }
0x5b: {  	_ =	shalt  }
0x5c: {  	_ =	shalt  }
0x5d: {  	_ =	shalt  }
0x5e: {  	_ =	shalt  }
0x5f: {  	_ =	shalt  }
0x60: {  	_ =	shalt  }
0x61: {  	_ =	shalt  }
0x62: {  	_ =	shalt  }
0x63: {  	_ =	shalt  }
0x64: {  	_ =	shalt  }
0x65: {  	_ =	shalt  }
0x66: {  	_ =	shalt  }
0x67: {  	_ =	shalt  }
0x68: {  	_ =	shalt  }
0x69: {  	_ =	shalt  }
0x6a: {  	_ =	shalt  }
0x6b: {  	_ =	shalt  }
0x6c: {  	_ =	shalt  }
0x6d: {  	_ =	shalt  }
0x6e: {  	_ =	shalt  }
0x6f: {  	_ =	shalt  }
0x70: {  	_ =	shalt  }
0x71: {  	_ =	shalt  }
0x72: {  	_ =	shalt  }
0x73: {  	_ =	shalt  }
0x74: {  	_ =	shalt  }
0x75: {  	_ =	shalt  }
0x76: {  	_ =	shalt  }
0x77: {  	_ =	shalt  }
0x78: {  	_ =	shalt  }
0x79: {  	_ =	shalt  }
0x7a: {  	_ =	shalt  }
0x7b: {  	_ =	shalt  }
0x7c: {  	_ =	shalt  }
0x7d: {  	_ =	shalt  }
0x7e: {  	_ =	shalt  }
0x7f: {  	_ =	shalt  }
0x80: {  	_ =	shalt  }
0x81: {  	_ =	shalt  }
0x82: {  	_ =	shalt  }
0x83: {  	_ =	shalt  }
0x84: {  	_ =	shalt  }
0x85: {  	_ =	shalt  }
0x86: {  	_ =	shalt  }
0x87: {  	_ =	shalt  }
.Lfunc_end0:
.L_simem_size_0:
called_computation_lowered:
.L_overlay_start_0:
0x88: {  	s2 =	sld [smem:$0x3FD9]  }
0x89: {  	s3 =	sld [smem:$0x3FFE];
	_ =	sdelay $0x1  }
0x8a: {  	s1 =	srdreg.scid  }
0x8b: {  	s0 =	sand.u32 $0x1, s1  }
0x8c: {  	s17 =	sshll.u32 s0, $0xA;
	s2 =	sadd.s32 s3, s2  }
0x8d: {  	s2 =	sadd.s32 s2, s17  }
0x8e: {  	[smem:$0x3FC1] =	sst s2  }
0x8f: {  	_ = 	snop  }
0x90: {  	s2 =	sld [smem:$0x3FC9]  }
0x91: {  	s18 =	sld [smem:$0x3FC8]  }
0x92: {  	s4 =	sld [smem:$0x3FC5]  }
0x93: {  	s5 =	sld [smem:$0x3FC4]  }
0x94: {  	s6 =	sld [smem:$0x3FC3]  }
0x95: {  	s7 =	sld [smem:$0x3FD0];
	(tm) =	ssettm $0x1  }
0x96: {  	s8 =	sld [smem:$0x3FFB];
	_ =	sdelay $0x3  }
0x97: {  	_ =	strace s8  }
0x98: {  	s8 =	sld [smem:$0x3FFC];
	_ =	sdelay $0x3  }
0x99: {  	_ =	strace s8  }
0x9a: {  	s8 =	sld [smem:$0x3FFD];
	_ =	sdelay $0x3  }
0x9b: {  	_ =	strace s8  }
0x9c: {  	_ =	strace $0x8FFFFFFF  }
0x9d: {  	s19 =	sld [smem:$0x3FDB];
	_ =	sdelay $0x1  }
0x9e: {  	s9 =	simm.s32 $_scs_section_size  }
0x9f: {  	s10 =	simm.s32 $_size__tile_overlayer_lowered;
	s11 =	simm.s32 $_tile_overlayer_lowered  }
0xa0: {  	s22 =	simm.s32 $0x1BFF;
	s21 =	sshll.u32 s11, $0x1;
	s8 =	sadd.s32 s9, s19  }
0xa1: {  	s12 =	simm.s32 $0x0;
	s20 =	sshll.u32 s10, $0x1;
	s10 =	sadd.s32 s21, s8  }
0xa2: {  	[timem:s12], [sflag:s22] =	dma.local [hbm:s10], s20  }
0xa3: {  	_ =	swait.ge [sflag:s22], s20  }
0xa4: {  	s9 =	ssub.s32 $0x0, s20;
	[sflag:s22] =	ssyncset.done $0x0  }
0xa5: {  	[sflag:s22] =	ssyncadd.s32 s9;
	_ =	sdelay $0x1  }
0xa6: {  	s23 =	simm.s32 $0x1B8B  }
0xa7: {  	_ =	swait.ge [sflag:s23], $0x1  }
0xa8: {  	[sflag:s23] =	ssyncset.done $0x0  }
0xa9: {  	s25 =	simm.s32 $0x1B8E;
	s24 =	sld [smem:$0x3FFE];
	[sflag:s23] =	ssyncadd.s32 $0xFFFFFFFF  }
0xaa: {  	s26 =	simm.s32 $execute0_lowered;
	[smem:$0x3FD2] =	sst s25  }
0xab: {  	s10 =	sshll.u32 s26, $0x1;
	_ =	strace $0x80000046;
	[dreg:$0x1] =	wrdreg $0xFFFFFFFF  }
0xac: {  	s28 =	simm.s32 $_size_execute0_lowered;
	s8 =	sadd.s32 s8, s10;
	[dreg:$0x0] =	wrdreg $0x0  }
0xad: {  	s10 =	sshll.u32 s28, $0x1;
	[dreg:$0x2] =	wrdreg s8  }
0xae: {  	[dreg:$0x3] =	wrdreg s10  }
0xaf: {  	[dreg:$0x4] =	wrdreg $0xC0  }
0xb0: {  	_ =	task [dreg:s12], $0x5FFFF  }
0xb1: {  	[dreg:$0x1] =	wrdreg $0xFFFFFFFF  }
0xb2: {  	[dreg:$0x0] =	wrdreg $0x60  }
0xb3: {  	[dreg:$0x2] =	wrdreg s2  }
0xb4: {  	[dreg:$0x3] =	wrdreg s18  }
0xb5: {  	[dreg:$0x4] =	wrdreg s24  }
0xb6: {  	[dreg:$0x5] =	wrdreg s4  }
0xb7: {  	[dreg:$0x6] =	wrdreg s5  }
0xb8: {  	[dreg:$0x7] =	wrdreg s6  }
0xb9: {  	[dreg:$0x8] =	wrdreg s7  }
0xba: {  	[dreg:$0x9] =	wrdreg $0x9  }
0xbb: {  	_ =	task.clear_ibuf [dreg:s12], $0xAFFFF;
	_ =	strace $0x90000046  }
0xbc: {  	s29 =	simm.s32 $0x9;
	_ =	strace $0x80000048  }
0xbd: {  	_ =	swait.ge [sflag:s29], $0x1  }
0xbe: {  	[sflag:s29] =	ssyncadd.s32 $0xFFFFFFFF  }
0xbf: {  	_ =	strace $0x90000048  }
0xc0: {  	_ =	sfence  }
0xc1: {  	s30 =	sld [smem:$0x0];
	_ =	sdelay $0x2  }
0xc2: {  	s31 =	sshll.u32 s1, $0xD;
	s1 =	sshrl.u32 s1, $0x2  }
0xc3: {  	s3 =	sand.u32 $0x4000, s31;
	s1 =	sadd.s32 s1, s30  }
0xc4: {  	s0 =	sor.u32 s3, s0;
	s1 =	sshll.u32 s1, $0x11  }
0xc5: {  	s0 =	sor.u32 s1, s0  }
0xc6: {  	s0 =	sadd.s32 $0x8F2B, s0  }
0xc7: {  	[sflag:s0] =	ssyncadd.remote.s32 $0x1  }
0xc8: {  	_ =	sfence.sel $0xFFFF  }
0xc9: {  	[dreg:$0x0] =	wrdreg $0xFFFFFFFF;
	(pc) =	sbr.abs _section_cstart, $3  }
0xca: {  	[dreg:$0x1] =	wrdreg $0xFFFFFFFF  }
0xcb: {  	_ =	task.clear_ibuf [dreg:s12], $0x2FFFF;
	_ =	strace $0x9FFFFFFF  }
0xcc: {  	(tm) =	ssettm $0x7FFFFFFF  }
0xcd: {  	_ =	shalt  }
tec
execute0_lowered:
.L_overlay_start_1:
0x0: {  	(tag) =	ssettag $0x1  }
0x1: {  	s8 =	rddreg [dreg:$0x0]  }
0x2: {  	s9 =	rddreg [dreg:$0x1]  }
0x3: {  	s7 =	rddreg [dreg:$0x2]  }
0x4: {  	s1 =	rddreg [dreg:$0x3]  }
0x5: {  	s2 =	rddreg [dreg:$0x4]  }
0x6: {  	s3 =	rddreg [dreg:$0x5]  }
0x7: {  	s10 =	rddreg [dreg:$0x6]  }
0x8: {  	s0 =	rddreg [dreg:$0x7];
	s4 =	simm.s32 $0x0;
	s5 =	srdreg.scid  }
0x9: {  	s15 =	simm.s32 $0x4400;
	s16 =	simm.s32 $0x8A00;
	s17 =	simm.s32 $0x1  }
0xa: {  	s18 =	simm.s32 $0x2;
	s19 =	simm.s32 $0x3;
	s20 =	simm.s32 $0x4  }
0xb: {  	s21 =	simm.s32 $0x8800;
	s22 =	simm.s32 $0x0;
	[smem:$0x7FF] =	sst s4  }
0xc: {  	s11 =	sand.u32 $0x1, s5;
	s6 =	sadd.s32 $0x187E00, s7;
	s5 =	stileid.u32  }
0xd: {  	s7 =	sadd.s32 $0x1E9A00, s7;
	_ =	strace $0x80000047;
	s12 =	ssub.s32 $0x2, s11  }
0xe: {  	s14 =	sshll.u32 s5, $0x7;
	s11 =	sshll.u32 s11, $0x6;
	s13 =	sshrl.u32 s12, $0x1  }
0xf: {  	s11 =	sor.u32 s11, s14;
	s14 =	simm.s32 $0x400;
	s12 =	ssub.s32 s12, s13  }
0x10: {  	v0 =	vimm.s32 $0x0;
	vm0 =	vcmask $0x300;
	s8 =	sadd.s32 s8, s11;
	s9 =	sadd.s32 s9, s11;
	s10 =	sadd.s32 s10, s11  }
0x11: {  	v0 =	vsel vm0, $0x3, v0;
	vm0 =	vcmask $0x3F3C;
	s13 =	simm.s32 $0x200;
	s11 =	smax.u32 s12, $0x1;
	s12 =	simm.s32 $0x5  }
.LBB2_1:
0x12: {  	[tilespmem:s4], [sflag:$0x5] =	stream.linear.gather [hbm4b:s8+s4], $0x200, $0x38;
	[tilespmem:$0x8A10] =	vst v63  }
0x13: {  	_ =	swait.ge [sflag:s12], $0x200  }
0x14: {  	[sflag:s12] =	ssyncset.done $0x0  }
0x15: {  	[sflag:s12] =	ssyncadd.s32 $0xFFFFFE00  }
0x16: {  	[tilespmem:s13], [sflag:$0x5] =	stream.linear.gather [hbm4b:s9+s4], $0x200, $0x38;
	[tilespmem:$0x8A10] =	vst v63  }
0x17: {  	_ =	swait.ge [sflag:s12], $0x200  }
0x18: {  	[sflag:s12] =	ssyncset.done $0x0  }
0x19: {  	[sflag:s12] =	ssyncadd.s32 $0xFFFFFE00  }
0x1a: {  	[tilespmem:s14], [sflag:$0x1] =	stream.indirect.gather [hbm4b:s6+s13], $0x20, s4, s13, $0xb8;
	[tilespmem:$0x8A10] =	vst v63  }
0x1b: {  	_ = 	snop  }
0x1c: {  	[tilespmem:s15], [sflag:$0x2] =	stream.indirect.gather [hbm4b:s7+s13], $0x20, s13, s13, $0xb8;
	[tilespmem:$0x8A10] =	vst v63  }
0x1d: {  	s23 =	simm.s32 $0x8400  }
0x1e: {  	[tilespmem:s23], [sflag:$0x3] =	stream.indirect.gather [hbm4b:s1+s13], $0x1, s4, s13, $0xb8;
	[tilespmem:$0x8A10] =	vst v63  }
0x1f: {  	s24 =	simm.s32 $0x8600  }
0x20: {  	[tilespmem:s24], [sflag:$0x4] =	stream.indirect.gather [hbm4b:s2+s13], $0x1, s13, s13, $0xb8;
	[tilespmem:$0x8A10] =	vst v63  }
0x21: {  	_ = 	snop  }
0x22: {  	[tilespmem:s16], [sflag:$0x5] =	stream.linear.gather [hbm4b:s3+s4], $0x10, $0x38;
	[tilespmem:$0x8A10] =	vst v63  }
0x23: {  	_ =	swait.ge [sflag:s12], $0x10  }
0x24: {  	[sflag:s12] =	ssyncset.done $0x0  }
0x25: {  	[sflag:s12] =	ssyncadd.s32 $0xFFFFFFF0  }
0x26: {  	v1 =	vld [tilespmem:$0x8A00];
	_ =	swait.ge [sflag:s17], $0x4000  }
0x27: {  	[sflag:s17] =	ssyncset.done $0x0  }
0x28: {  	[sflag:s17] =	ssyncadd.s32 $0xFFFFC000  }
0x29: {  	_ =	swait.ge [sflag:s18], $0x4000  }
0x2a: {  	[sflag:s18] =	ssyncset.done $0x0  }
0x2b: {  	[sflag:s18] =	ssyncadd.s32 $0xFFFFC000  }
0x2c: {  	_ =	swait.ge [sflag:s19], $0x200  }
0x2d: {  	[sflag:s19] =	ssyncset.done $0x0  }
0x2e: {  	[sflag:s19] =	ssyncadd.s32 $0xFFFFFE00  }
0x2f: {  	_ =	swait.ge [sflag:s20], $0x200  }
0x30: {  	s25 =	simm.s32 $0xF;
	s26 =	simm.s32 $0x4500;
	[sflag:s20] =	ssyncset.done $0x0  }
0x31: {  	s28 =	simm.s32 $0x500;
	s29 =	simm.s32 $0x8800;
	v1 =	vadd.f32 $6.546385290e-01, v1;
	[sflag:s20] =	ssyncadd.s32 $0xFFFFFE00  }
.LBB2_2:
0x32: {  	v2 =	vld [tilespmem:s28+$0xFFFFFF00]  }
0x33: {  	v3 =	vld [tilespmem:s28+$0xFFFFFF10]  }
0x34: {  	v4 =	vld [tilespmem:s26+$0xFFFFFF00]  }
0x35: {  	v5 =	vld [tilespmem:s26+$0xFFFFFF10];
	_ =	sdelay $0x4  }
0x36: {  	v2 =	vmul.f32 v4, v2;
	v3 =	vmul.f32 v5, v3;
	_ =	sdelay $0x1  }
0x37: {  	v2 =	vadd.f32 v3, v2;
	_ =	sdelay $0x1  }
0x38: {  	(xrf2) =	vadd.scan.msk.f32 $0xffff, v2  }
0x39: {  	s30 =	sadd.s32 $0xFFFFFFF1, s25  }
0x3a: {  	v2 =	vmov s30  }
0x3b: {  	v2 =	vshrl.u32 v2, $0x3  }
0x3c: {  	v2 =	vshll.u32 v2, v0  }
0x3d: {  	v2 =	vbroadcast v2, $0x0;
	_ =	sdelay $0x4  }
0x3e: {  	v3, _, _ =	vpop (xrf2)  }
0x3f: {  	[tilespmem:v2+s21+$0x0] =	vst.idx.msk vm0, v3  }
0x40: {  	v2 =	vld [tilespmem:s28+$0xFFFFFF20]  }
0x41: {  	v3 =	vld [tilespmem:s28+$0xFFFFFF30]  }
0x42: {  	v33 =	vld [tilespmem:s26+$0xFFFFFF20]  }
0x43: {  	v34 =	vld [tilespmem:s26+$0xFFFFFF30];
	_ =	sdelay $0x4  }
0x44: {  	v2 =	vmul.f32 v33, v2;
	v3 =	vmul.f32 v34, v3;
	_ =	sdelay $0x1  }
0x45: {  	v2 =	vadd.f32 v3, v2;
	_ =	sdelay $0x1  }
0x46: {  	s31 =	sadd.s32 $0xFFFFFFF2, s25;
	(xrf2) =	vadd.scan.msk.f32 $0xffff, v2  }
0x47: {  	v2 =	vmov s31  }
0x48: {  	v2 =	vshrl.u32 v2, $0x3  }
0x49: {  	v2 =	vshll.u32 v2, v0  }
0x4a: {  	v2 =	vadd.s32 $0x1, v2  }
0x4b: {  	v2 =	vbroadcast v2, $0x0;
	_ =	sdelay $0x4  }
0x4c: {  	v3, _, _ =	vpop (xrf2)  }
0x4d: {  	[tilespmem:v2+s21+$0x0] =	vst.idx.msk vm0, v3  }
0x4e: {  	v2 =	vld [tilespmem:s28+$0xFFFFFF40]  }
0x4f: {  	v3 =	vld [tilespmem:s28+$0xFFFFFF50]  }
0x50: {  	v35 =	vld [tilespmem:s26+$0xFFFFFF40]  }
0x51: {  	v36 =	vld [tilespmem:s26+$0xFFFFFF50];
	_ =	sdelay $0x4  }
0x52: {  	v2 =	vmul.f32 v35, v2;
	v3 =	vmul.f32 v36, v3;
	_ =	sdelay $0x1  }
0x53: {  	v2 =	vadd.f32 v3, v2;
	_ =	sdelay $0x1  }
0x54: {  	s31 =	sadd.s32 $0xFFFFFFF3, s25;
	(xrf2) =	vadd.scan.msk.f32 $0xffff, v2  }
0x55: {  	v2 =	vmov s31  }
0x56: {  	v2 =	vshrl.u32 v2, $0x3  }
0x57: {  	v2 =	vshll.u32 v2, v0  }
0x58: {  	v2 =	vadd.s32 $0x2, v2  }
0x59: {  	v2 =	vbroadcast v2, $0x0;
	_ =	sdelay $0x4  }
0x5a: {  	v3, _, _ =	vpop (xrf2)  }
0x5b: {  	[tilespmem:v2+s21+$0x0] =	vst.idx.msk vm0, v3  }
0x5c: {  	v2 =	vld [tilespmem:s28+$0xFFFFFF60]  }
0x5d: {  	v3 =	vld [tilespmem:s28+$0xFFFFFF70]  }
0x5e: {  	v37 =	vld [tilespmem:s26+$0xFFFFFF60]  }
0x5f: {  	v38 =	vld [tilespmem:s26+$0xFFFFFF70];
	_ =	sdelay $0x4  }
0x60: {  	v2 =	vmul.f32 v37, v2;
	v3 =	vmul.f32 v38, v3;
	_ =	sdelay $0x1  }
0x61: {  	v2 =	vadd.f32 v3, v2;
	_ =	sdelay $0x1  }
0x62: {  	s31 =	sadd.s32 $0xFFFFFFF4, s25;
	(xrf2) =	vadd.scan.msk.f32 $0xffff, v2  }
0x63: {  	v2 =	vmov s31  }
0x64: {  	v2 =	vshrl.u32 v2, $0x3  }
0x65: {  	v2 =	vshll.u32 v2, v0  }
0x66: {  	v2 =	vadd.s32 $0x3, v2  }
0x67: {  	v2 =	vbroadcast v2, $0x0;
	_ =	sdelay $0x4  }
0x68: {  	v3, _, _ =	vpop (xrf2)  }
0x69: {  	[tilespmem:v2+s21+$0x0] =	vst.idx.msk vm0, v3  }
0x6a: {  	v2 =	vld [tilespmem:s28+$0xFFFFFF80]  }
0x6b: {  	v3 =	vld [tilespmem:s28+$0xFFFFFF90]  }
0x6c: {  	v39 =	vld [tilespmem:s26+$0xFFFFFF80]  }
0x6d: {  	v40 =	vld [tilespmem:s26+$0xFFFFFF90];
	_ =	sdelay $0x4  }
0x6e: {  	v2 =	vmul.f32 v39, v2;
	v3 =	vmul.f32 v40, v3;
	_ =	sdelay $0x1  }
0x6f: {  	v2 =	vadd.f32 v3, v2;
	_ =	sdelay $0x1  }
0x70: {  	s31 =	sadd.s32 $0xFFFFFFF5, s25;
	(xrf2) =	vadd.scan.msk.f32 $0xffff, v2  }
0x71: {  	v2 =	vmov s31  }
0x72: {  	v2 =	vshrl.u32 v2, $0x3  }
0x73: {  	v2 =	vshll.u32 v2, v0  }
0x74: {  	v2 =	vadd.s32 $0x4, v2  }
0x75: {  	v2 =	vbroadcast v2, $0x0;
	_ =	sdelay $0x4  }
0x76: {  	v3, _, _ =	vpop (xrf2)  }
0x77: {  	[tilespmem:v2+s21+$0x0] =	vst.idx.msk vm0, v3  }
0x78: {  	v2 =	vld [tilespmem:s28+$0xFFFFFFA0]  }
0x79: {  	v3 =	vld [tilespmem:s28+$0xFFFFFFB0]  }
0x7a: {  	v41 =	vld [tilespmem:s26+$0xFFFFFFA0]  }
0x7b: {  	v42 =	vld [tilespmem:s26+$0xFFFFFFB0];
	_ =	sdelay $0x4  }
0x7c: {  	v2 =	vmul.f32 v41, v2;
	v3 =	vmul.f32 v42, v3;
	_ =	sdelay $0x1  }
0x7d: {  	v2 =	vadd.f32 v3, v2;
	_ =	sdelay $0x1  }
0x7e: {  	s31 =	sadd.s32 $0xFFFFFFF6, s25;
	(xrf2) =	vadd.scan.msk.f32 $0xffff, v2  }
0x7f: {  	v2 =	vmov s31  }
0x80: {  	v2 =	vshrl.u32 v2, $0x3  }
0x81: {  	v2 =	vshll.u32 v2, v0  }
0x82: {  	v2 =	vadd.s32 $0x5, v2  }
0x83: {  	v2 =	vbroadcast v2, $0x0;
	_ =	sdelay $0x4  }
0x84: {  	v3, _, _ =	vpop (xrf2)  }
0x85: {  	[tilespmem:v2+s21+$0x0] =	vst.idx.msk vm0, v3  }
0x86: {  	v2 =	vld [tilespmem:s28+$0xFFFFFFC0]  }
0x87: {  	v3 =	vld [tilespmem:s28+$0xFFFFFFD0]  }
0x88: {  	v43 =	vld [tilespmem:s26+$0xFFFFFFC0]  }
0x89: {  	v44 =	vld [tilespmem:s26+$0xFFFFFFD0];
	_ =	sdelay $0x4  }
0x8a: {  	v2 =	vmul.f32 v43, v2;
	v3 =	vmul.f32 v44, v3;
	_ =	sdelay $0x1  }
0x8b: {  	v2 =	vadd.f32 v3, v2;
	_ =	sdelay $0x1  }
0x8c: {  	s31 =	sadd.s32 $0xFFFFFFF7, s25;
	(xrf2) =	vadd.scan.msk.f32 $0xffff, v2  }
0x8d: {  	v2 =	vmov s31  }
0x8e: {  	v2 =	vshrl.u32 v2, $0x3  }
0x8f: {  	v2 =	vshll.u32 v2, v0  }
0x90: {  	v2 =	vadd.s32 $0x6, v2  }
0x91: {  	v2 =	vbroadcast v2, $0x0;
	_ =	sdelay $0x4  }
0x92: {  	v3, _, _ =	vpop (xrf2)  }
0x93: {  	[tilespmem:v2+s21+$0x0] =	vst.idx.msk vm0, v3  }
0x94: {  	v2 =	vld [tilespmem:s28+$0xFFFFFFE0]  }
0x95: {  	v3 =	vld [tilespmem:s28+$0xFFFFFFF0]  }
0x96: {  	v45 =	vld [tilespmem:s26+$0xFFFFFFE0]  }
0x97: {  	v46 =	vld [tilespmem:s26+$0xFFFFFFF0];
	_ =	sdelay $0x4  }
0x98: {  	v2 =	vmul.f32 v45, v2;
	v3 =	vmul.f32 v46, v3;
	_ =	sdelay $0x1  }
0x99: {  	v2 =	vadd.f32 v3, v2;
	_ =	sdelay $0x1  }
0x9a: {  	s31 =	sadd.s32 $0xFFFFFFF8, s25;
	(xrf2) =	vadd.scan.msk.f32 $0xffff, v2  }
0x9b: {  	v2 =	vmov s31  }
0x9c: {  	v2 =	vshrl.u32 v2, $0x3  }
0x9d: {  	v2 =	vshll.u32 v2, v0  }
0x9e: {  	v2 =	vadd.s32 $0x7, v2  }
0x9f: {  	v2 =	vbroadcast v2, $0x0;
	_ =	sdelay $0x4  }
0xa0: {  	v3, _, _ =	vpop (xrf2)  }
0xa1: {  	[tilespmem:v2+s21+$0x0] =	vst.idx.msk vm0, v3  }
0xa2: {  	v2 =	vld [tilespmem:s28+$0x0]  }
0xa3: {  	v3 =	vld [tilespmem:s28+$0x10]  }
0xa4: {  	v47 =	vld [tilespmem:s26+$0x0]  }
0xa5: {  	v48 =	vld [tilespmem:s26+$0x10];
	_ =	sdelay $0x4  }
0xa6: {  	v2 =	vmul.f32 v47, v2;
	v3 =	vmul.f32 v48, v3;
	_ =	sdelay $0x1  }
0xa7: {  	v2 =	vadd.f32 v3, v2;
	_ =	sdelay $0x1  }
0xa8: {  	(xrf2) =	vadd.scan.msk.f32 $0xffff, v2  }
0xa9: {  	s31 =	sadd.s32 $0xFFFFFFF9, s25  }
0xaa: {  	v2 =	vmov s31  }
0xab: {  	v2 =	vshrl.u32 v2, $0x3  }
0xac: {  	v2 =	vshll.u32 v2, v0  }
0xad: {  	v2 =	vbroadcast v2, $0x0;
	_ =	sdelay $0x4  }
0xae: {  	v3, _, _ =	vpop (xrf2)  }
0xaf: {  	[tilespmem:v2+s21+$0x0] =	vst.idx.msk vm0, v3  }
0xb0: {  	v2 =	vld [tilespmem:s28+$0x20]  }
0xb1: {  	v3 =	vld [tilespmem:s28+$0x30]  }
0xb2: {  	v49 =	vld [tilespmem:s26+$0x20]  }
0xb3: {  	v50 =	vld [tilespmem:s26+$0x30];
	_ =	sdelay $0x4  }
0xb4: {  	v2 =	vmul.f32 v49, v2;
	v3 =	vmul.f32 v50, v3;
	_ =	sdelay $0x1  }
0xb5: {  	v2 =	vadd.f32 v3, v2;
	_ =	sdelay $0x1  }
0xb6: {  	s31 =	sadd.s32 $0xFFFFFFFA, s25;
	(xrf2) =	vadd.scan.msk.f32 $0xffff, v2  }
0xb7: {  	v2 =	vmov s31  }
0xb8: {  	v2 =	vshrl.u32 v2, $0x3  }
0xb9: {  	v2 =	vshll.u32 v2, v0  }
0xba: {  	v2 =	vadd.s32 $0x1, v2  }
0xbb: {  	v2 =	vbroadcast v2, $0x0;
	_ =	sdelay $0x4  }
0xbc: {  	v3, _, _ =	vpop (xrf2)  }
0xbd: {  	[tilespmem:v2+s21+$0x0] =	vst.idx.msk vm0, v3  }
0xbe: {  	v2 =	vld [tilespmem:s28+$0x40]  }
0xbf: {  	v3 =	vld [tilespmem:s28+$0x50]  }
0xc0: {  	v51 =	vld [tilespmem:s26+$0x40]  }
0xc1: {  	v52 =	vld [tilespmem:s26+$0x50];
	_ =	sdelay $0x4  }
0xc2: {  	v2 =	vmul.f32 v51, v2;
	v3 =	vmul.f32 v52, v3;
	_ =	sdelay $0x1  }
0xc3: {  	v2 =	vadd.f32 v3, v2;
	_ =	sdelay $0x1  }
0xc4: {  	s31 =	sadd.s32 $0xFFFFFFFB, s25;
	(xrf2) =	vadd.scan.msk.f32 $0xffff, v2  }
0xc5: {  	v2 =	vmov s31  }
0xc6: {  	v2 =	vshrl.u32 v2, $0x3  }
0xc7: {  	v2 =	vshll.u32 v2, v0  }
0xc8: {  	v2 =	vadd.s32 $0x2, v2  }
0xc9: {  	v2 =	vbroadcast v2, $0x0;
	_ =	sdelay $0x4  }
0xca: {  	v3, _, _ =	vpop (xrf2)  }
0xcb: {  	[tilespmem:v2+s21+$0x0] =	vst.idx.msk vm0, v3  }
0xcc: {  	v2 =	vld [tilespmem:s28+$0x60]  }
0xcd: {  	v3 =	vld [tilespmem:s28+$0x70]  }
0xce: {  	v53 =	vld [tilespmem:s26+$0x60]  }
0xcf: {  	v54 =	vld [tilespmem:s26+$0x70];
	_ =	sdelay $0x4  }
0xd0: {  	v2 =	vmul.f32 v53, v2;
	v3 =	vmul.f32 v54, v3;
	_ =	sdelay $0x1  }
0xd1: {  	v2 =	vadd.f32 v3, v2;
	_ =	sdelay $0x1  }
0xd2: {  	s31 =	sadd.s32 $0xFFFFFFFC, s25;
	(xrf2) =	vadd.scan.msk.f32 $0xffff, v2  }
0xd3: {  	v2 =	vmov s31  }
0xd4: {  	v2 =	vshrl.u32 v2, $0x3  }
0xd5: {  	v2 =	vshll.u32 v2, v0  }
0xd6: {  	v2 =	vadd.s32 $0x3, v2  }
0xd7: {  	v2 =	vbroadcast v2, $0x0;
	_ =	sdelay $0x4  }
0xd8: {  	v3, _, _ =	vpop (xrf2)  }
0xd9: {  	[tilespmem:v2+s21+$0x0] =	vst.idx.msk vm0, v3  }
0xda: {  	v2 =	vld [tilespmem:s28+$0x80]  }
0xdb: {  	v3 =	vld [tilespmem:s28+$0x90]  }
0xdc: {  	v55 =	vld [tilespmem:s26+$0x80]  }
0xdd: {  	v56 =	vld [tilespmem:s26+$0x90];
	_ =	sdelay $0x4  }
0xde: {  	v2 =	vmul.f32 v55, v2;
	v3 =	vmul.f32 v56, v3;
	_ =	sdelay $0x1  }
0xdf: {  	v2 =	vadd.f32 v3, v2;
	_ =	sdelay $0x1  }
0xe0: {  	s31 =	sadd.s32 $0xFFFFFFFD, s25;
	(xrf2) =	vadd.scan.msk.f32 $0xffff, v2  }
0xe1: {  	v2 =	vmov s31  }
0xe2: {  	v2 =	vshrl.u32 v2, $0x3  }
0xe3: {  	v2 =	vshll.u32 v2, v0  }
0xe4: {  	v2 =	vadd.s32 $0x4, v2  }
0xe5: {  	v2 =	vbroadcast v2, $0x0;
	_ =	sdelay $0x4  }
0xe6: {  	v3, _, _ =	vpop (xrf2)  }
0xe7: {  	[tilespmem:v2+s21+$0x0] =	vst.idx.msk vm0, v3  }
0xe8: {  	v2 =	vld [tilespmem:s28+$0xA0]  }
0xe9: {  	v3 =	vld [tilespmem:s28+$0xB0]  }
0xea: {  	v57 =	vld [tilespmem:s26+$0xA0]  }
0xeb: {  	v58 =	vld [tilespmem:s26+$0xB0];
	_ =	sdelay $0x4  }
0xec: {  	v2 =	vmul.f32 v57, v2;
	v3 =	vmul.f32 v58, v3;
	_ =	sdelay $0x1  }
0xed: {  	v2 =	vadd.f32 v3, v2;
	_ =	sdelay $0x1  }
0xee: {  	s31 =	sadd.s32 $0xFFFFFFFE, s25;
	(xrf2) =	vadd.scan.msk.f32 $0xffff, v2  }
0xef: {  	v2 =	vmov s31  }
0xf0: {  	v2 =	vshrl.u32 v2, $0x3  }
0xf1: {  	v2 =	vshll.u32 v2, v0  }
0xf2: {  	v2 =	vadd.s32 $0x5, v2  }
0xf3: {  	v2 =	vbroadcast v2, $0x0;
	_ =	sdelay $0x4  }
0xf4: {  	v3, _, _ =	vpop (xrf2)  }
0xf5: {  	[tilespmem:v2+s21+$0x0] =	vst.idx.msk vm0, v3  }
0xf6: {  	v2 =	vld [tilespmem:s28+$0xC0]  }
0xf7: {  	v3 =	vld [tilespmem:s28+$0xD0]  }
0xf8: {  	v59 =	vld [tilespmem:s26+$0xC0]  }
0xf9: {  	v60 =	vld [tilespmem:s26+$0xD0];
	_ =	sdelay $0x4  }
0xfa: {  	v2 =	vmul.f32 v59, v2;
	v3 =	vmul.f32 v60, v3;
	_ =	sdelay $0x1  }
0xfb: {  	v2 =	vadd.f32 v3, v2;
	_ =	sdelay $0x1  }
0xfc: {  	s31 =	sadd.s32 $0xFFFFFFFF, s25;
	(xrf2) =	vadd.scan.msk.f32 $0xffff, v2  }
0xfd: {  	v2 =	vmov s31  }
0xfe: {  	v2 =	vshrl.u32 v2, $0x3  }
0xff: {  	v2 =	vshll.u32 v2, v0  }
0x100: {  	v2 =	vadd.s32 $0x6, v2  }
0x101: {  	v2 =	vbroadcast v2, $0x0;
	_ =	sdelay $0x4  }
0x102: {  	v3, _, _ =	vpop (xrf2)  }
0x103: {  	[tilespmem:v2+s21+$0x0] =	vst.idx.msk vm0, v3  }
0x104: {  	v2 =	vld [tilespmem:s28+$0xE0]  }
0x105: {  	v3 =	vld [tilespmem:s28+$0xF0]  }
0x106: {  	v61 =	vld [tilespmem:s26+$0xE0]  }
0x107: {  	v62 =	vld [tilespmem:s26+$0xF0];
	_ =	sdelay $0x4  }
0x108: {  	v2 =	vmul.f32 v61, v2;
	v3 =	vmul.f32 v62, v3;
	_ =	sdelay $0x1  }
0x109: {  	v2 =	vadd.f32 v3, v2;
	_ =	sdelay $0x1  }
0x10a: {  	(xrf2) =	vadd.scan.msk.f32 $0xffff, v2  }
0x10b: {  	v2 =	vmov s25  }
0x10c: {  	v2 =	vshrl.u32 v2, $0x3  }
0x10d: {  	v2 =	vshll.u32 v2, v0  }
0x10e: {  	v2 =	vadd.s32 $0x7, v2  }
0x10f: {  	v2 =	vbroadcast v2, $0x0;
	_ =	sdelay $0x4  }
0x110: {  	v3, _, _ =	vpop (xrf2)  }
0x111: {  	[tilespmem:v2+s21+$0x0] =	vst.idx.msk vm0, v3  }
0x112: {  	v2 =	vld [tilespmem:s23+$0x0];
	_ =	sdelay $0x1  }
0x113: {  	v3 =	vld [tilespmem:s24+$0x0];
	_ =	sdelay $0x1  }
0x114: {  	v63 =	vld [tilespmem:s29+$0x0]  }
0x115: {  	v2 =	vadd.f32 v2, v1  }
0x116: {  	p0 =	sne.s32 s25, $0x1FF  }
.Ltmp0:
0x117: {  	v2 =	vadd.f32 v3, v2;
	(pc) =	sbr.rel @p0 .LBB2_2-.Ltmp0, $4  }
0x118: {  	_ = 	snop  }
0x119: {  	v2 =	vadd.f32 v2, v63  }
0x11a: {  	s26 =	sadd.s32 $0x200, s26;
	s28 =	sadd.s32 $0x200, s28;
	s25 =	sadd.s32 $0x10, s25  }
0x11b: {  	s23 =	sadd.s32 $0x10, s23;
	s24 =	sadd.s32 $0x10, s24;
	[tilespmem:s29+$0x0] =	vst v2;
	s29 =	sadd.s32 $0x10, s29  }
0x11c: {  	s22 =	sadd.s32 $0x1, s22  }
0x11d: {  	p0 =	sne.s32 s22, s11  }
.Ltmp1:
0x11e: {  	_ = 	snop;
	(pc) =	sbr.rel @p0 .LBB2_1-.Ltmp1, $4  }
0x11f: {  	[hbm4b:s10+s4] =	stream.linear.scatter [tilespmem:s21], [sflag:$0x5], $0x200, $0x38;
	[tilespmem:$0x8A10] =	vst v63  }
0x120: {  	_ =	swait.ge [sflag:s12], $0x200  }
0x121: {  	[sflag:s12] =	ssyncset.done $0x0  }
0x122: {  	[sflag:s12] =	ssyncadd.s32 $0xFFFFFE00  }
0x123: {  	_ =	sfence.sel $0x180000  }
0x124: {  	[bflag:$0x0] =	sbarrier.arrive $0xFFFF  }
0x125: {  	p0 =	sne.s32 s5, $0x0;
	_ =	strace $0x90000047  }
0x126: {  	s0 =	sadd.s32 @!p0 $0x100000, s0;
	[bflag:$0x2] =	sbarrier.arrive $0xFFFF  }
0x127: {  	[sflag:s0] =	ssyncadd.tile.s32 @!p0 $0x1;
	_ =	shalt  }
.Lfunc_end2:
_tile_overlayer_lowered:
.L_overlay_start_2:
0x128: {  	(tag) =	ssettag $0x2  }
0x129: {  	s0 =	rddreg [dreg:$0x0];
	s2 =	stileid.u32  }
0x12a: {  	s1 =	rddreg [dreg:$0x1];
	p0 =	sne.s32 s2, $0x0  }
0x12b: {  	s3 =	rddreg [dreg:$0x2];
	[bflag:$0x3] =	sbarrier.arrive $0xFFFF;
	s2 =	simm.s32 @!p0 $0x1C05  }
0x12c: {  	[timem:s3], [sflag:s2] =	dma.local @!p0 [hbm:s0], s1  }
0x12d: {  	s0 =	simm.s32 @!p0 $0x5  }
0x12e: {  	_ =	swait.ge @!p0 [sflag:s0], s1  }
0x12f: {  	s1 =	ssub.s32 @!p0 $0x0, s1;
	[sflag:s0] =	ssyncset.done @!p0 $0x0  }
0x130: {  	[sflag:s0] =	ssyncadd.s32 @!p0 s1  }
0x131: {  	[bflag:$0x3] =	sbarrier.arrive $0xFFFF  }
0x132: {  	_ =	shalt  }

</sc_bundles>
